<compile_context>
chip_gen: v7x
topology: tpu7x:2x2x1
jax: 0.10.2.dev20260603
libtpu: 0.0.44.dev20260713+nightly
codegen_flags: <defaults>
</compile_context>

<pallas_src>
import functools

import numpy as np
import jax
import jax.numpy as jnp
from jax import lax
from jax.experimental import pallas as pl
from jax.experimental.pallas import tpu as pltpu
from jax.experimental.pallas import tpu_sc as plsc

_D_MODEL = 64
_CONTEXT_LEN = 200
_NBUF = 4


def _sinusoidal_table(d_model: int, context_len: int) -> np.ndarray:
    pos = np.arange(context_len, dtype=np.float32)[:, None]
    i = np.arange(d_model, dtype=np.float32)[None, :]
    angle_rates = 1.0 / np.power(10000.0, (2.0 * np.floor(i / 2.0)) / float(d_model))
    angles = pos * angle_rates
    table = np.zeros((context_len, d_model), dtype=np.float32)
    table[:, 0::2] = np.sin(angles[:, 0::2])
    table[:, 1::2] = np.cos(angles[:, 1::2])
    return table


def kernel(text_batch, embedding_matrix):
    batch, seq_len = text_batch.shape
    vocab, d_model = embedding_matrix.shape
    assert seq_len == _CONTEXT_LEN and d_model == _D_MODEL

    n_tokens = batch * seq_len
    flat_idx = text_batch.reshape(n_tokens)
    table3 = embedding_matrix.reshape(vocab, 1, d_model)

    info = plsc.get_sparse_core_info()
    num_workers = info.num_cores * info.num_subcores
    per_worker = n_tokens // num_workers
    assert per_worker * num_workers == n_tokens
    chunk = seq_len
    n_chunks = per_worker // chunk
    assert n_chunks * chunk == per_worker and n_chunks % _NBUF == 0

    pos_flat = jnp.asarray(_sinusoidal_table(d_model, seq_len).reshape(-1))

    mesh = plsc.VectorSubcoreMesh(core_axis_name="c", subcore_axis_name="s")

    @functools.partial(
        pl.kernel,
        mesh=mesh,
        out_type=jax.ShapeDtypeStruct((n_tokens, 1, d_model), jnp.float32),
        scratch_types=[
            [pltpu.VMEM((chunk,), jnp.int32) for _ in range(_NBUF)],
            [pltpu.VMEM((chunk, 1, d_model), jnp.float32) for _ in range(_NBUF)],
            pltpu.VMEM((seq_len * d_model,), jnp.float32),
            [pltpu.SemaphoreType.DMA for _ in range(_NBUF)],
            [pltpu.SemaphoreType.DMA for _ in range(_NBUF)],
            [pltpu.SemaphoreType.DMA for _ in range(_NBUF)],
        ],
    )
    def _emb_kernel(idx_hbm, table_hbm, pos_hbm, out_hbm,
                    idx_c, gb, pos_v, s_ix, s_g, s_w):
        wid = lax.axis_index("s") * info.num_cores + lax.axis_index("c")
        base = wid * per_worker
        pltpu.sync_copy(pos_hbm, pos_v)

        def idx_copy(j, k):
            return pltpu.make_async_copy(
                idx_hbm.at[pl.ds(base + j * chunk, chunk)], idx_c[k], s_ix[k])

        def gather_copy(k):
            return pltpu.make_async_copy(table_hbm.at[idx_c[k]], gb[k], s_g[k])

        def write_copy(j, k):
            return pltpu.make_async_copy(
                gb[k], out_hbm.at[pl.ds(base + j * chunk, chunk)], s_w[k])

        for k in range(_NBUF):
            idx_copy(k, k).start()
        for k in range(2):
            idx_copy(k, k).wait()
            gather_copy(k).start()

        def quad_body(i, carry):
            j0 = i * _NBUF
            for b in range(_NBUF):
                j = j0 + b
                bn = (b + 2) % _NBUF

                @pl.when(j + 2 < n_chunks)
                def _launch_next_gather():
                    idx_copy(j + 2, bn).wait()

                    @pl.when(j >= 2)
                    def _wait_prev_write():
                        write_copy(j - 2, bn).wait()

                    gather_copy(bn).start()

                gather_copy(b).wait()

                @pl.when(j + _NBUF < n_chunks)
                def _stage_next_idx():
                    idx_copy(j + _NBUF, b).start()

                def row_body(r, c2):
                    for c in range(d_model // 16):
                        val = pos_v[pl.ds(r * d_model + c * 16, 16)]
                        plsc.addupdate(gb[b].at[r, 0, pl.ds(c * 16, 16)], val)
                    return c2

                lax.fori_loop(0, chunk, row_body, 0, unroll=2)

                write_copy(j, b).start()
            return carry

        lax.fori_loop(0, n_chunks // _NBUF, quad_body, 0)

        for j in range(n_chunks - _NBUF, n_chunks):
            write_copy(j, j % _NBUF).wait()

    out = _emb_kernel(flat_idx, table3, pos_flat)
    return out.reshape(batch, seq_len, d_model)

# --- scband reference (transcript-rebuilt; emitter-appended) ---
"""Pipeline reference for scband-initialize-positional-embeddings-6167573037766 (READ-ONLY COPY).

The authoritative reference and input builder live on the scoring server;
editing this copy changes nothing except your own understanding.
"""

import jax, jax.numpy as jnp
import numpy as np

D_MODEL = 64
VOCAB_SIZE = 1000000
CONTEXT_LEN = 200
BATCH = 4096
SEQ_LEN = 200


def prepare_sinusoidal_lookup_table(d_model, context_len):
    pos = np.arange(context_len, dtype=np.float32)[:, None]
    i = np.arange(d_model, dtype=np.float32)[None, :]
    angle_rates = 1.0 / np.power(10000.0, (2.0 * np.floor(i / 2.0)) / float(d_model))
    angles = pos * angle_rates
    table = np.zeros((context_len, d_model), dtype=np.float32)
    table[:, 0::2] = np.sin(angles[:, 0::2])
    table[:, 1::2] = np.cos(angles[:, 1::2])
    return jnp.asarray(table)


def setup_inputs(seed: int = 0) -> dict:
    key = jax.random.key(seed)
    k1, k2 = jax.random.split(key)
    text_batch = jax.random.randint(k1, (BATCH, SEQ_LEN), 0, VOCAB_SIZE, dtype=jnp.int32)
    embedding_matrix = jax.random.normal(k2, (VOCAB_SIZE, D_MODEL), dtype=jnp.float32) * 0.05
    return {"text_batch": text_batch, "embedding_matrix": embedding_matrix}


def reference(text_batch, embedding_matrix):
    pos_table = prepare_sinusoidal_lookup_table(D_MODEL, CONTEXT_LEN)
    token_emb = jnp.take(embedding_matrix, text_batch, axis=0)
    seq_len = text_batch.shape[1]
    pos_emb = pos_table[:seq_len, :][None, :, :]
    embeddings = token_emb + pos_emb
    return embeddings

if __name__ == "__main__":
    import jax
    _d = setup_inputs()
    print(jax.jit(kernel)(*tuple(_d.values())))

</pallas_src>

<mosaic_0001>
#map = affine_map<(d0, d1) -> (0)>
#map1 = affine_map<(d0, d1) -> (0, 0, 0)>
module attributes {stable_mosaic.version = 14 : i64} {
  func.func @_emb_kernel(%arg0: i32, %arg1: i32, %arg2: memref<819200xi32, #tpu.memory_space<hbm>>, %arg3: memref<1000000x1x64xf32, #tpu.memory_space<hbm>>, %arg4: memref<12800xf32, #tpu.memory_space<hbm>>, %arg5: memref<819200x1x64xf32, #tpu.memory_space<hbm>>, %arg6: memref<200xi32, #tpu.memory_space<vmem>>, %arg7: memref<200xi32, #tpu.memory_space<vmem>>, %arg8: memref<200xi32, #tpu.memory_space<vmem>>, %arg9: memref<200xi32, #tpu.memory_space<vmem>>, %arg10: memref<200x1x64xf32, #tpu.memory_space<vmem>>, %arg11: memref<200x1x64xf32, #tpu.memory_space<vmem>>, %arg12: memref<200x1x64xf32, #tpu.memory_space<vmem>>, %arg13: memref<200x1x64xf32, #tpu.memory_space<vmem>>, %arg14: memref<12800xf32, #tpu.memory_space<vmem>>, %arg15: memref<!tpu.dma_semaphore, #tpu.memory_space<semaphore_mem>>, %arg16: memref<!tpu.dma_semaphore, #tpu.memory_space<semaphore_mem>>, %arg17: memref<!tpu.dma_semaphore, #tpu.memory_space<semaphore_mem>>, %arg18: memref<!tpu.dma_semaphore, #tpu.memory_space<semaphore_mem>>, %arg19: memref<!tpu.dma_semaphore, #tpu.memory_space<semaphore_mem>>, %arg20: memref<!tpu.dma_semaphore, #tpu.memory_space<semaphore_mem>>, %arg21: memref<!tpu.dma_semaphore, #tpu.memory_space<semaphore_mem>>, %arg22: memref<!tpu.dma_semaphore, #tpu.memory_space<semaphore_mem>>, %arg23: memref<!tpu.dma_semaphore, #tpu.memory_space<semaphore_mem>>, %arg24: memref<!tpu.dma_semaphore, #tpu.memory_space<semaphore_mem>>, %arg25: memref<!tpu.dma_semaphore, #tpu.memory_space<semaphore_mem>>, %arg26: memref<!tpu.dma_semaphore, #tpu.memory_space<semaphore_mem>>) attributes {dimension_semantics = [#tpu.dimension_semantics<core_parallel>, #tpu.dimension_semantics<subcore_parallel>], iteration_bounds = array<i64: 2, 16>, scalar_prefetch = 0 : i64, scratch_operands = 21 : i64, tpu.core_type = #tpu.core_type<sc_vector_subcore>, window_params = [{transform_indices = #map}, {transform_indices = #map1}, {transform_indices = #map}, {transform_indices = #map1}]} {
    %mul3A = arith.constant 2 : i32
    %mul3A_0 = arith.muli %arg1, %mul3A : i32
    %add3A = arith.addi %mul3A_0, %arg0 : i32
    %mul3A_1 = arith.constant 25600 : i32
    %mul3A_2 = arith.muli %add3A, %mul3A_1 : i32
    "tpu.region"() ({
      %run_scoped3A = tpu.sem_alloc : memref<!tpu.dma_semaphore, #tpu.memory_space<semaphore_mem>>
      tpu.enqueue_dma source(%arg4 : memref<12800xf32, #tpu.memory_space<hbm>>) target(%arg14 : memref<12800xf32, #tpu.memory_space<vmem>>) target_semaphore(%run_scoped3A : memref<!tpu.dma_semaphore, #tpu.memory_space<semaphore_mem>>)
      tpu.wait_dma2 semaphore(%run_scoped3A : memref<!tpu.dma_semaphore, #tpu.memory_space<semaphore_mem>>) src(%arg4 : memref<12800xf32, #tpu.memory_space<hbm>>) dst(%arg14 : memref<12800xf32, #tpu.memory_space<vmem>>)
      tpu.yield
    }) : () -> ()
    %add3A_3 = arith.constant 0 : i32
    %add3A_4 = arith.addi %mul3A_2, %add3A_3 : i32
    %dma_start3A = tpu.memref_slice %arg2[%add3A_4] : memref<819200xi32, #tpu.memory_space<hbm>> -> memref<200xi32, #tpu.memory_space<hbm>>
    %dma_start3A_5 = tpu.memref_slice %arg2[%add3A_4] : memref<819200xi32, #tpu.memory_space<hbm>> -> memref<200xi32, #tpu.memory_space<hbm>>
    tpu.enqueue_dma source(%dma_start3A_5 : memref<200xi32, #tpu.memory_space<hbm>>) target(%arg6 : memref<200xi32, #tpu.memory_space<vmem>>) target_semaphore(%arg15 : memref<!tpu.dma_semaphore, #tpu.memory_space<semaphore_mem>>)
    %add3A_6 = arith.constant 200 : i32
    %add3A_7 = arith.addi %mul3A_2, %add3A_6 : i32
    %dma_start3A_8 = tpu.memref_slice %arg2[%add3A_7] : memref<819200xi32, #tpu.memory_space<hbm>> -> memref<200xi32, #tpu.memory_space<hbm>>
    %dma_start3A_9 = tpu.memref_slice %arg2[%add3A_7] : memref<819200xi32, #tpu.memory_space<hbm>> -> memref<200xi32, #tpu.memory_space<hbm>>
    tpu.enqueue_dma source(%dma_start3A_9 : memref<200xi32, #tpu.memory_space<hbm>>) target(%arg7 : memref<200xi32, #tpu.memory_space<vmem>>) target_semaphore(%arg16 : memref<!tpu.dma_semaphore, #tpu.memory_space<semaphore_mem>>)
    %add3A_10 = arith.constant 400 : i32
    %add3A_11 = arith.addi %mul3A_2, %add3A_10 : i32
    %dma_start3A_12 = tpu.memref_slice %arg2[%add3A_11] : memref<819200xi32, #tpu.memory_space<hbm>> -> memref<200xi32, #tpu.memory_space<hbm>>
    %dma_start3A_13 = tpu.memref_slice %arg2[%add3A_11] : memref<819200xi32, #tpu.memory_space<hbm>> -> memref<200xi32, #tpu.memory_space<hbm>>
    tpu.enqueue_dma source(%dma_start3A_13 : memref<200xi32, #tpu.memory_space<hbm>>) target(%arg8 : memref<200xi32, #tpu.memory_space<vmem>>) target_semaphore(%arg17 : memref<!tpu.dma_semaphore, #tpu.memory_space<semaphore_mem>>)
    %add3A_14 = arith.constant 600 : i32
    %add3A_15 = arith.addi %mul3A_2, %add3A_14 : i32
    %dma_start3A_16 = tpu.memref_slice %arg2[%add3A_15] : memref<819200xi32, #tpu.memory_space<hbm>> -> memref<200xi32, #tpu.memory_space<hbm>>
    %dma_start3A_17 = tpu.memref_slice %arg2[%add3A_15] : memref<819200xi32, #tpu.memory_space<hbm>> -> memref<200xi32, #tpu.memory_space<hbm>>
    tpu.enqueue_dma source(%dma_start3A_17 : memref<200xi32, #tpu.memory_space<hbm>>) target(%arg9 : memref<200xi32, #tpu.memory_space<vmem>>) target_semaphore(%arg18 : memref<!tpu.dma_semaphore, #tpu.memory_space<semaphore_mem>>)
    %add3A_18 = arith.constant 0 : i32
    %add3A_19 = arith.addi %mul3A_2, %add3A_18 : i32
    %dma_wait3A = tpu.memref_slice %arg2[%add3A_19] : memref<819200xi32, #tpu.memory_space<hbm>> -> memref<200xi32, #tpu.memory_space<hbm>>
    %dma_wait3A_20 = tpu.memref_slice %arg2[%add3A_19] : memref<819200xi32, #tpu.memory_space<hbm>> -> memref<200xi32, #tpu.memory_space<hbm>>
    tpu.wait_dma2 semaphore(%arg15 : memref<!tpu.dma_semaphore, #tpu.memory_space<semaphore_mem>>) src(%dma_wait3A_20 : memref<200xi32, #tpu.memory_space<hbm>>) dst(%arg6 : memref<200xi32, #tpu.memory_space<vmem>>)
    %dma_start3A_21 = arith.constant 0 : i32
    %dma_start3A_22 = arith.constant 0 : i32
    %dma_start3A_23 = arith.constant 0 : i32
    %dma_start3A_24 = tpu.memref_slice %arg3[%dma_start3A_21, %dma_start3A_22, %dma_start3A_23] : memref<1000000x1x64xf32, #tpu.memory_space<hbm>> -> memref<1000000x1x64xf32, #tpu.memory_space<hbm>>
    tpu.enqueue_indirect_dma source(%dma_start3A_24 : memref<1000000x1x64xf32, #tpu.memory_space<hbm>>) target(%arg10 : memref<200x1x64xf32, #tpu.memory_space<vmem>>) offsets(%arg6 : memref<200xi32, #tpu.memory_space<vmem>>) semaphore(%arg19 : memref<!tpu.dma_semaphore, #tpu.memory_space<semaphore_mem>>)
    %add3A_25 = arith.constant 200 : i32
    %add3A_26 = arith.addi %mul3A_2, %add3A_25 : i32
    %dma_wait3A_27 = tpu.memref_slice %arg2[%add3A_26] : memref<819200xi32, #tpu.memory_space<hbm>> -> memref<200xi32, #tpu.memory_space<hbm>>
    %dma_wait3A_28 = tpu.memref_slice %arg2[%add3A_26] : memref<819200xi32, #tpu.memory_space<hbm>> -> memref<200xi32, #tpu.memory_space<hbm>>
    tpu.wait_dma2 semaphore(%arg16 : memref<!tpu.dma_semaphore, #tpu.memory_space<semaphore_mem>>) src(%dma_wait3A_28 : memref<200xi32, #tpu.memory_space<hbm>>) dst(%arg7 : memref<200xi32, #tpu.memory_space<vmem>>)
    %dma_start3A_29 = arith.constant 0 : i32
    %dma_start3A_30 = arith.constant 0 : i32
    %dma_start3A_31 = arith.constant 0 : i32
    %dma_start3A_32 = tpu.memref_slice %arg3[%dma_start3A_29, %dma_start3A_30, %dma_start3A_31] : memref<1000000x1x64xf32, #tpu.memory_space<hbm>> -> memref<1000000x1x64xf32, #tpu.memory_space<hbm>>
    tpu.enqueue_indirect_dma source(%dma_start3A_32 : memref<1000000x1x64xf32, #tpu.memory_space<hbm>>) target(%arg11 : memref<200x1x64xf32, #tpu.memory_space<vmem>>) offsets(%arg7 : memref<200xi32, #tpu.memory_space<vmem>>) semaphore(%arg20 : memref<!tpu.dma_semaphore, #tpu.memory_space<semaphore_mem>>)
    %scan3A = arith.constant 0 : i32
    %scan3A_33 = arith.constant 0 : i32
    %scan3A_34 = arith.constant 32 : i32
    %scan3A_35 = arith.addi %scan3A_33, %scan3A_34 : i32
    %scan3A_36 = arith.constant 1 : i32
    scf.for %scan3A_70 = %scan3A_33 to %scan3A_35 step %scan3A_36  : i32 {
      %mul3A_71 = arith.constant 4 : i32
      %mul3A_72 = arith.muli %scan3A_70, %mul3A_71 : i32
      %add3A_73 = arith.constant 0 : i32
      %add3A_74 = arith.addi %mul3A_72, %add3A_73 : i32
      %add3A_75 = arith.constant 2 : i32
      %add3A_76 = arith.addi %add3A_74, %add3A_75 : i32
      %lt3A = arith.constant 128 : i32
      %lt3A_77 = arith.cmpi slt, %add3A_76, %lt3A : i32
      %convert_element_type3A = arith.extui %lt3A_77 : i1 to i32
      %cond3A = arith.constant 0 : i32
      %cond3A_78 = arith.cmpi ne, %convert_element_type3A, %cond3A : i32
      scf.if %cond3A_78 {
        %add3A_210 = arith.constant 2 : i32
        %add3A_211 = arith.addi %add3A_74, %add3A_210 : i32
        %mul3A_212 = arith.constant 200 : i32
        %mul3A_213 = arith.muli %add3A_211, %mul3A_212 : i32
        %add3A_214 = arith.addi %mul3A_2, %mul3A_213 : i32
        %dma_wait3A_215 = tpu.memref_slice %arg2[%add3A_214] : memref<819200xi32, #tpu.memory_space<hbm>> -> memref<200xi32, #tpu.memory_space<hbm>>
        %dma_wait3A_216 = tpu.memref_slice %arg2[%add3A_214] : memref<819200xi32, #tpu.memory_space<hbm>> -> memref<200xi32, #tpu.memory_space<hbm>>
        tpu.wait_dma2 semaphore(%arg17 : memref<!tpu.dma_semaphore, #tpu.memory_space<semaphore_mem>>) src(%dma_wait3A_216 : memref<200xi32, #tpu.memory_space<hbm>>) dst(%arg8 : memref<200xi32, #tpu.memory_space<vmem>>)
        %ge3A = arith.constant 2 : i32
        %ge3A_217 = arith.cmpi sge, %add3A_74, %ge3A : i32
        %convert_element_type3A_218 = arith.extui %ge3A_217 : i1 to i32
        %cond3A_219 = arith.constant 0 : i32
        %cond3A_220 = arith.cmpi ne, %convert_element_type3A_218, %cond3A_219 : i32
        scf.if %cond3A_220 {
          %sub3A = arith.constant 2 : i32
          %sub3A_225 = arith.subi %add3A_74, %sub3A : i32
          %mul3A_226 = arith.constant 200 : i32
          %mul3A_227 = arith.muli %sub3A_225, %mul3A_226 : i32
          %add3A_228 = arith.addi %mul3A_2, %mul3A_227 : i32
          %dma_wait3A_229 = arith.constant 0 : i32
          %dma_wait3A_230 = arith.constant 0 : i32
          %dma_wait3A_231 = tpu.memref_slice %arg5[%add3A_228, %dma_wait3A_229, %dma_wait3A_230] : memref<819200x1x64xf32, #tpu.memory_space<hbm>> -> memref<200x1x64xf32, #tpu.memory_space<hbm>>
          %dma_wait3A_232 = arith.constant 0 : i32
          %dma_wait3A_233 = arith.constant 0 : i32
          %dma_wait3A_234 = tpu.memref_slice %arg5[%add3A_228, %dma_wait3A_232, %dma_wait3A_233] : memref<819200x1x64xf32, #tpu.memory_space<hbm>> -> memref<200x1x64xf32, #tpu.memory_space<hbm>>
          tpu.wait_dma2 semaphore(%arg25 : memref<!tpu.dma_semaphore, #tpu.memory_space<semaphore_mem>>) src(%arg12 : memref<200x1x64xf32, #tpu.memory_space<vmem>>) dst(%dma_wait3A_234 : memref<200x1x64xf32, #tpu.memory_space<hbm>>)
        } else {
        }
        %dma_start3A_221 = arith.constant 0 : i32
        %dma_start3A_222 = arith.constant 0 : i32
        %dma_start3A_223 = arith.constant 0 : i32
        %dma_start3A_224 = tpu.memref_slice %arg3[%dma_start3A_221, %dma_start3A_222, %dma_start3A_223] : memref<1000000x1x64xf32, #tpu.memory_space<hbm>> -> memref<1000000x1x64xf32, #tpu.memory_space<hbm>>
        tpu.enqueue_indirect_dma source(%dma_start3A_224 : memref<1000000x1x64xf32, #tpu.memory_space<hbm>>) target(%arg12 : memref<200x1x64xf32, #tpu.memory_space<vmem>>) offsets(%arg8 : memref<200xi32, #tpu.memory_space<vmem>>) semaphore(%arg21 : memref<!tpu.dma_semaphore, #tpu.memory_space<semaphore_mem>>)
      } else {
      }
      %dma_wait3A_79 = arith.constant 0 : i32
      %dma_wait3A_80 = arith.constant 0 : i32
      %dma_wait3A_81 = arith.constant 0 : i32
      %dma_wait3A_82 = tpu.memref_slice %arg3[%dma_wait3A_79, %dma_wait3A_80, %dma_wait3A_81] : memref<1000000x1x64xf32, #tpu.memory_space<hbm>> -> memref<1000000x1x64xf32, #tpu.memory_space<hbm>>
      tpu.wait_indirect_dma semaphore(%arg19 : memref<!tpu.dma_semaphore, #tpu.memory_space<semaphore_mem>>) src(%dma_wait3A_82 : memref<1000000x1x64xf32, #tpu.memory_space<hbm>>) dst(%arg10 : memref<200x1x64xf32, #tpu.memory_space<vmem>>)
      %add3A_83 = arith.constant 4 : i32
      %add3A_84 = arith.addi %add3A_74, %add3A_83 : i32
      %lt3A_85 = arith.constant 128 : i32
      %lt3A_86 = arith.cmpi slt, %add3A_84, %lt3A_85 : i32
      %convert_element_type3A_87 = arith.extui %lt3A_86 : i1 to i32
      %cond3A_88 = arith.constant 0 : i32
      %cond3A_89 = arith.cmpi ne, %convert_element_type3A_87, %cond3A_88 : i32
      scf.if %cond3A_89 {
        %add3A_210 = arith.constant 4 : i32
        %add3A_211 = arith.addi %add3A_74, %add3A_210 : i32
        %mul3A_212 = arith.constant 200 : i32
        %mul3A_213 = arith.muli %add3A_211, %mul3A_212 : i32
        %add3A_214 = arith.addi %mul3A_2, %mul3A_213 : i32
        %dma_start3A_215 = tpu.memref_slice %arg2[%add3A_214] : memref<819200xi32, #tpu.memory_space<hbm>> -> memref<200xi32, #tpu.memory_space<hbm>>
        %dma_start3A_216 = tpu.memref_slice %arg2[%add3A_214] : memref<819200xi32, #tpu.memory_space<hbm>> -> memref<200xi32, #tpu.memory_space<hbm>>
        tpu.enqueue_dma source(%dma_start3A_216 : memref<200xi32, #tpu.memory_space<hbm>>) target(%arg6 : memref<200xi32, #tpu.memory_space<vmem>>) target_semaphore(%arg15 : memref<!tpu.dma_semaphore, #tpu.memory_space<semaphore_mem>>)
      } else {
      }
      %scan3A_90 = arith.constant 0 : i32
      %scan3A_91 = arith.constant 0 : i32
      %scan3A_92 = arith.constant 200 : i32
      %scan3A_93 = arith.addi %scan3A_91, %scan3A_92 : i32
      %scan3A_94 = arith.constant 2 : i32
      scf.for %scan3A_210 = %scan3A_91 to %scan3A_93 step %scan3A_94  : i32 {
        %mul3A_211 = arith.constant 64 : i32
        %mul3A_212 = arith.muli %scan3A_210, %mul3A_211 : i32
        %add3A_213 = arith.constant 0 : i32
        %add3A_214 = arith.addi %mul3A_212, %add3A_213 : i32
        %get3A = arith.index_cast %add3A_214 : i32 to index
        %get3A_215 = tpu.vector_load %arg14[%get3A] {strides = array<i32>} : memref<12800xf32, #tpu.memory_space<vmem>>, vector<16xf32>,
        %get3A_216 = vector.shape_cast %get3A_215 : vector<16xf32> to vector<16xf32>
        %swap3A = arith.constant 0 : i32
        %swap3A_217 = arith.index_cast %scan3A_210 : i32 to index
        %swap3A_218 = arith.index_cast %swap3A : i32 to index
        %swap3A_219 = arith.constant 0 : index
        %swap3A_220 = tpu.vector_load %arg10[%swap3A_217, %swap3A_218, %swap3A_219] {strides = array<i32>} : memref<200x1x64xf32, #tpu.memory_space<vmem>>, vector<1x1x16xf32>,
        %swap3A_221 = vector.shape_cast %swap3A_220 : vector<1x1x16xf32> to vector<16xf32>
        %swap3A_222 = vector.shape_cast %get3A_216 : vector<16xf32> to vector<1x1x16xf32>
        tpu.vector_store %arg10[%swap3A_217, %swap3A_218, %swap3A_219], %swap3A_222 {add = true, strides = array<i32>} : memref<200x1x64xf32, #tpu.memory_space<vmem>>, vector<1x1x16xf32>,
        %mul3A_223 = arith.constant 64 : i32
        %mul3A_224 = arith.muli %scan3A_210, %mul3A_223 : i32
        %add3A_225 = arith.constant 16 : i32
        %add3A_226 = arith.addi %mul3A_224, %add3A_225 : i32
        %get3A_227 = arith.index_cast %add3A_226 : i32 to index
        %get3A_228 = tpu.vector_load %arg14[%get3A_227] {strides = array<i32>} : memref<12800xf32, #tpu.memory_space<vmem>>, vector<16xf32>,
        %get3A_229 = vector.shape_cast %get3A_228 : vector<16xf32> to vector<16xf32>
        %swap3A_230 = arith.constant 0 : i32
        %swap3A_231 = arith.index_cast %scan3A_210 : i32 to index
        %swap3A_232 = arith.index_cast %swap3A_230 : i32 to index
        %swap3A_233 = arith.constant 16 : index
        %swap3A_234 = tpu.vector_load %arg10[%swap3A_231, %swap3A_232, %swap3A_233] {strides = array<i32>} : memref<200x1x64xf32, #tpu.memory_space<vmem>>, vector<1x1x16xf32>,
        %swap3A_235 = vector.shape_cast %swap3A_234 : vector<1x1x16xf32> to vector<16xf32>
        %swap3A_236 = vector.shape_cast %get3A_229 : vector<16xf32> to vector<1x1x16xf32>
        tpu.vector_store %arg10[%swap3A_231, %swap3A_232, %swap3A_233], %swap3A_236 {add = true, strides = array<i32>} : memref<200x1x64xf32, #tpu.memory_space<vmem>>, vector<1x1x16xf32>,
        %mul3A_237 = arith.constant 64 : i32
        %mul3A_238 = arith.muli %scan3A_210, %mul3A_237 : i32
        %add3A_239 = arith.constant 32 : i32
        %add3A_240 = arith.addi %mul3A_238, %add3A_239 : i32
        %get3A_241 = arith.index_cast %add3A_240 : i32 to index
        %get3A_242 = tpu.vector_load %arg14[%get3A_241] {strides = array<i32>} : memref<12800xf32, #tpu.memory_space<vmem>>, vector<16xf32>,
        %get3A_243 = vector.shape_cast %get3A_242 : vector<16xf32> to vector<16xf32>
        %swap3A_244 = arith.constant 0 : i32
        %swap3A_245 = arith.index_cast %scan3A_210 : i32 to index
        %swap3A_246 = arith.index_cast %swap3A_244 : i32 to index
        %swap3A_247 = arith.constant 32 : index
        %swap3A_248 = tpu.vector_load %arg10[%swap3A_245, %swap3A_246, %swap3A_247] {strides = array<i32>} : memref<200x1x64xf32, #tpu.memory_space<vmem>>, vector<1x1x16xf32>,
        %swap3A_249 = vector.shape_cast %swap3A_248 : vector<1x1x16xf32> to vector<16xf32>
        %swap3A_250 = vector.shape_cast %get3A_243 : vector<16xf32> to vector<1x1x16xf32>
        tpu.vector_store %arg10[%swap3A_245, %swap3A_246, %swap3A_247], %swap3A_250 {add = true, strides = array<i32>} : memref<200x1x64xf32, #tpu.memory_space<vmem>>, vector<1x1x16xf32>,
        %mul3A_251 = arith.constant 64 : i32
        %mul3A_252 = arith.muli %scan3A_210, %mul3A_251 : i32
        %add3A_253 = arith.constant 48 : i32
        %add3A_254 = arith.addi %mul3A_252, %add3A_253 : i32
        %get3A_255 = arith.index_cast %add3A_254 : i32 to index
        %get3A_256 = tpu.vector_load %arg14[%get3A_255] {strides = array<i32>} : memref<12800xf32, #tpu.memory_space<vmem>>, vector<16xf32>,
        %get3A_257 = vector.shape_cast %get3A_256 : vector<16xf32> to vector<16xf32>
        %swap3A_258 = arith.constant 0 : i32
        %swap3A_259 = arith.index_cast %scan3A_210 : i32 to index
        %swap3A_260 = arith.index_cast %swap3A_258 : i32 to index
        %swap3A_261 = arith.constant 48 : index
        %swap3A_262 = tpu.vector_load %arg10[%swap3A_259, %swap3A_260, %swap3A_261] {strides = array<i32>} : memref<200x1x64xf32, #tpu.memory_space<vmem>>, vector<1x1x16xf32>,
        %swap3A_263 = vector.shape_cast %swap3A_262 : vector<1x1x16xf32> to vector<16xf32>
        %swap3A_264 = vector.shape_cast %get3A_257 : vector<16xf32> to vector<1x1x16xf32>
        tpu.vector_store %arg10[%swap3A_259, %swap3A_260, %swap3A_261], %swap3A_264 {add = true, strides = array<i32>} : memref<200x1x64xf32, #tpu.memory_space<vmem>>, vector<1x1x16xf32>,
        %scan3A_265 = arith.constant 1 : i32
        %scan3A_266 = arith.addi %scan3A_210, %scan3A_265 : i32
        %mul3A_267 = arith.constant 64 : i32
        %mul3A_268 = arith.muli %scan3A_266, %mul3A_267 : i32
        %add3A_269 = arith.constant 0 : i32
        %add3A_270 = arith.addi %mul3A_268, %add3A_269 : i32
        %get3A_271 = arith.index_cast %add3A_270 : i32 to index
        %get3A_272 = tpu.vector_load %arg14[%get3A_271] {strides = array<i32>} : memref<12800xf32, #tpu.memory_space<vmem>>, vector<16xf32>,
        %get3A_273 = vector.shape_cast %get3A_272 : vector<16xf32> to vector<16xf32>
        %swap3A_274 = arith.constant 0 : i32
        %swap3A_275 = arith.index_cast %scan3A_266 : i32 to index
        %swap3A_276 = arith.index_cast %swap3A_274 : i32 to index
        %swap3A_277 = arith.constant 0 : index
        %swap3A_278 = tpu.vector_load %arg10[%swap3A_275, %swap3A_276, %swap3A_277] {strides = array<i32>} : memref<200x1x64xf32, #tpu.memory_space<vmem>>, vector<1x1x16xf32>,
        %swap3A_279 = vector.shape_cast %swap3A_278 : vector<1x1x16xf32> to vector<16xf32>
        %swap3A_280 = vector.shape_cast %get3A_273 : vector<16xf32> to vector<1x1x16xf32>
        tpu.vector_store %arg10[%swap3A_275, %swap3A_276, %swap3A_277], %swap3A_280 {add = true, strides = array<i32>} : memref<200x1x64xf32, #tpu.memory_space<vmem>>, vector<1x1x16xf32>,
        %mul3A_281 = arith.constant 64 : i32
        %mul3A_282 = arith.muli %scan3A_266, %mul3A_281 : i32
        %add3A_283 = arith.constant 16 : i32
        %add3A_284 = arith.addi %mul3A_282, %add3A_283 : i32
        %get3A_285 = arith.index_cast %add3A_284 : i32 to index
        %get3A_286 = tpu.vector_load %arg14[%get3A_285] {strides = array<i32>} : memref<12800xf32, #tpu.memory_space<vmem>>, vector<16xf32>,
        %get3A_287 = vector.shape_cast %get3A_286 : vector<16xf32> to vector<16xf32>
        %swap3A_288 = arith.constant 0 : i32
        %swap3A_289 = arith.index_cast %scan3A_266 : i32 to index
        %swap3A_290 = arith.index_cast %swap3A_288 : i32 to index
        %swap3A_291 = arith.constant 16 : index
        %swap3A_292 = tpu.vector_load %arg10[%swap3A_289, %swap3A_290, %swap3A_291] {strides = array<i32>} : memref<200x1x64xf32, #tpu.memory_space<vmem>>, vector<1x1x16xf32>,
        %swap3A_293 = vector.shape_cast %swap3A_292 : vector<1x1x16xf32> to vector<16xf32>
        %swap3A_294 = vector.shape_cast %get3A_287 : vector<16xf32> to vector<1x1x16xf32>
        tpu.vector_store %arg10[%swap3A_289, %swap3A_290, %swap3A_291], %swap3A_294 {add = true, strides = array<i32>} : memref<200x1x64xf32, #tpu.memory_space<vmem>>, vector<1x1x16xf32>,
        %mul3A_295 = arith.constant 64 : i32
        %mul3A_296 = arith.muli %scan3A_266, %mul3A_295 : i32
        %add3A_297 = arith.constant 32 : i32
        %add3A_298 = arith.addi %mul3A_296, %add3A_297 : i32
        %get3A_299 = arith.index_cast %add3A_298 : i32 to index
        %get3A_300 = tpu.vector_load %arg14[%get3A_299] {strides = array<i32>} : memref<12800xf32, #tpu.memory_space<vmem>>, vector<16xf32>,
        %get3A_301 = vector.shape_cast %get3A_300 : vector<16xf32> to vector<16xf32>
        %swap3A_302 = arith.constant 0 : i32
        %swap3A_303 = arith.index_cast %scan3A_266 : i32 to index
        %swap3A_304 = arith.index_cast %swap3A_302 : i32 to index
        %swap3A_305 = arith.constant 32 : index
        %swap3A_306 = tpu.vector_load %arg10[%swap3A_303, %swap3A_304, %swap3A_305] {strides = array<i32>} : memref<200x1x64xf32, #tpu.memory_space<vmem>>, vector<1x1x16xf32>,
        %swap3A_307 = vector.shape_cast %swap3A_306 : vector<1x1x16xf32> to vector<16xf32>
        %swap3A_308 = vector.shape_cast %get3A_301 : vector<16xf32> to vector<1x1x16xf32>
        tpu.vector_store %arg10[%swap3A_303, %swap3A_304, %swap3A_305], %swap3A_308 {add = true, strides = array<i32>} : memref<200x1x64xf32, #tpu.memory_space<vmem>>, vector<1x1x16xf32>,
        %mul3A_309 = arith.constant 64 : i32
        %mul3A_310 = arith.muli %scan3A_266, %mul3A_309 : i32
        %add3A_311 = arith.constant 48 : i32
        %add3A_312 = arith.addi %mul3A_310, %add3A_311 : i32
        %get3A_313 = arith.index_cast %add3A_312 : i32 to index
        %get3A_314 = tpu.vector_load %arg14[%get3A_313] {strides = array<i32>} : memref<12800xf32, #tpu.memory_space<vmem>>, vector<16xf32>,
        %get3A_315 = vector.shape_cast %get3A_314 : vector<16xf32> to vector<16xf32>
        %swap3A_316 = arith.constant 0 : i32
        %swap3A_317 = arith.index_cast %scan3A_266 : i32 to index
        %swap3A_318 = arith.index_cast %swap3A_316 : i32 to index
        %swap3A_319 = arith.constant 48 : index
        %swap3A_320 = tpu.vector_load %arg10[%swap3A_317, %swap3A_318, %swap3A_319] {strides = array<i32>} : memref<200x1x64xf32, #tpu.memory_space<vmem>>, vector<1x1x16xf32>,
        %swap3A_321 = vector.shape_cast %swap3A_320 : vector<1x1x16xf32> to vector<16xf32>
        %swap3A_322 = vector.shape_cast %get3A_315 : vector<16xf32> to vector<1x1x16xf32>
        tpu.vector_store %arg10[%swap3A_317, %swap3A_318, %swap3A_319], %swap3A_322 {add = true, strides = array<i32>} : memref<200x1x64xf32, #tpu.memory_space<vmem>>, vector<1x1x16xf32>,
      }
      %scan3A_95 = arith.constant 200 : i32
      %mul3A_96 = arith.constant 200 : i32
      %mul3A_97 = arith.muli %add3A_74, %mul3A_96 : i32
      %add3A_98 = arith.addi %mul3A_2, %mul3A_97 : i32
      %dma_start3A_99 = arith.constant 0 : i32
      %dma_start3A_100 = arith.constant 0 : i32
      %dma_start3A_101 = tpu.memref_slice %arg5[%add3A_98, %dma_start3A_99, %dma_start3A_100] : memref<819200x1x64xf32, #tpu.memory_space<hbm>> -> memref<200x1x64xf32, #tpu.memory_space<hbm>>
      %dma_start3A_102 = arith.constant 0 : i32
      %dma_start3A_103 = arith.constant 0 : i32
      %dma_start3A_104 = tpu.memref_slice %arg5[%add3A_98, %dma_start3A_102, %dma_start3A_103] : memref<819200x1x64xf32, #tpu.memory_space<hbm>> -> memref<200x1x64xf32, #tpu.memory_space<hbm>>
      tpu.enqueue_dma source(%arg10 : memref<200x1x64xf32, #tpu.memory_space<vmem>>) target(%dma_start3A_104 : memref<200x1x64xf32, #tpu.memory_space<hbm>>) target_semaphore(%arg23 : memref<!tpu.dma_semaphore, #tpu.memory_space<semaphore_mem>>)
      %add3A_105 = arith.constant 1 : i32
      %add3A_106 = arith.addi %mul3A_72, %add3A_105 : i32
      %add3A_107 = arith.constant 2 : i32
      %add3A_108 = arith.addi %add3A_106, %add3A_107 : i32
      %lt3A_109 = arith.constant 128 : i32
      %lt3A_110 = arith.cmpi slt, %add3A_108, %lt3A_109 : i32
      %convert_element_type3A_111 = arith.extui %lt3A_110 : i1 to i32
      %cond3A_112 = arith.constant 0 : i32
      %cond3A_113 = arith.cmpi ne, %convert_element_type3A_111, %cond3A_112 : i32
      scf.if %cond3A_113 {
        %add3A_210 = arith.constant 2 : i32
        %add3A_211 = arith.addi %add3A_106, %add3A_210 : i32
        %mul3A_212 = arith.constant 200 : i32
        %mul3A_213 = arith.muli %add3A_211, %mul3A_212 : i32
        %add3A_214 = arith.addi %mul3A_2, %mul3A_213 : i32
        %dma_wait3A_215 = tpu.memref_slice %arg2[%add3A_214] : memref<819200xi32, #tpu.memory_space<hbm>> -> memref<200xi32, #tpu.memory_space<hbm>>
        %dma_wait3A_216 = tpu.memref_slice %arg2[%add3A_214] : memref<819200xi32, #tpu.memory_space<hbm>> -> memref<200xi32, #tpu.memory_space<hbm>>
        tpu.wait_dma2 semaphore(%arg18 : memref<!tpu.dma_semaphore, #tpu.memory_space<semaphore_mem>>) src(%dma_wait3A_216 : memref<200xi32, #tpu.memory_space<hbm>>) dst(%arg9 : memref<200xi32, #tpu.memory_space<vmem>>)
        %ge3A = arith.constant 2 : i32
        %ge3A_217 = arith.cmpi sge, %add3A_106, %ge3A : i32
        %convert_element_type3A_218 = arith.extui %ge3A_217 : i1 to i32
        %cond3A_219 = arith.constant 0 : i32
        %cond3A_220 = arith.cmpi ne, %convert_element_type3A_218, %cond3A_219 : i32
        scf.if %cond3A_220 {
          %sub3A = arith.constant 2 : i32
          %sub3A_225 = arith.subi %add3A_106, %sub3A : i32
          %mul3A_226 = arith.constant 200 : i32
          %mul3A_227 = arith.muli %sub3A_225, %mul3A_226 : i32
          %add3A_228 = arith.addi %mul3A_2, %mul3A_227 : i32
          %dma_wait3A_229 = arith.constant 0 : i32
          %dma_wait3A_230 = arith.constant 0 : i32
          %dma_wait3A_231 = tpu.memref_slice %arg5[%add3A_228, %dma_wait3A_229, %dma_wait3A_230] : memref<819200x1x64xf32, #tpu.memory_space<hbm>> -> memref<200x1x64xf32, #tpu.memory_space<hbm>>
          %dma_wait3A_232 = arith.constant 0 : i32
          %dma_wait3A_233 = arith.constant 0 : i32
          %dma_wait3A_234 = tpu.memref_slice %arg5[%add3A_228, %dma_wait3A_232, %dma_wait3A_233] : memref<819200x1x64xf32, #tpu.memory_space<hbm>> -> memref<200x1x64xf32, #tpu.memory_space<hbm>>
          tpu.wait_dma2 semaphore(%arg26 : memref<!tpu.dma_semaphore, #tpu.memory_space<semaphore_mem>>) src(%arg13 : memref<200x1x64xf32, #tpu.memory_space<vmem>>) dst(%dma_wait3A_234 : memref<200x1x64xf32, #tpu.memory_space<hbm>>)
        } else {
        }
        %dma_start3A_221 = arith.constant 0 : i32
        %dma_start3A_222 = arith.constant 0 : i32
        %dma_start3A_223 = arith.constant 0 : i32
        %dma_start3A_224 = tpu.memref_slice %arg3[%dma_start3A_221, %dma_start3A_222, %dma_start3A_223] : memref<1000000x1x64xf32, #tpu.memory_space<hbm>> -> memref<1000000x1x64xf32, #tpu.memory_space<hbm>>
        tpu.enqueue_indirect_dma source(%dma_start3A_224 : memref<1000000x1x64xf32, #tpu.memory_space<hbm>>) target(%arg13 : memref<200x1x64xf32, #tpu.memory_space<vmem>>) offsets(%arg9 : memref<200xi32, #tpu.memory_space<vmem>>) semaphore(%arg22 : memref<!tpu.dma_semaphore, #tpu.memory_space<semaphore_mem>>)
      } else {
      }
      %dma_wait3A_114 = arith.constant 0 : i32
      %dma_wait3A_115 = arith.constant 0 : i32
      %dma_wait3A_116 = arith.constant 0 : i32
      %dma_wait3A_117 = tpu.memref_slice %arg3[%dma_wait3A_114, %dma_wait3A_115, %dma_wait3A_116] : memref<1000000x1x64xf32, #tpu.memory_space<hbm>> -> memref<1000000x1x64xf32, #tpu.memory_space<hbm>>
      tpu.wait_indirect_dma semaphore(%arg20 : memref<!tpu.dma_semaphore, #tpu.memory_space<semaphore_mem>>) src(%dma_wait3A_117 : memref<1000000x1x64xf32, #tpu.memory_space<hbm>>) dst(%arg11 : memref<200x1x64xf32, #tpu.memory_space<vmem>>)
      %add3A_118 = arith.constant 4 : i32
      %add3A_119 = arith.addi %add3A_106, %add3A_118 : i32
      %lt3A_120 = arith.constant 128 : i32
      %lt3A_121 = arith.cmpi slt, %add3A_119, %lt3A_120 : i32
      %convert_element_type3A_122 = arith.extui %lt3A_121 : i1 to i32
      %cond3A_123 = arith.constant 0 : i32
      %cond3A_124 = arith.cmpi ne, %convert_element_type3A_122, %cond3A_123 : i32
      scf.if %cond3A_124 {
        %add3A_210 = arith.constant 4 : i32
        %add3A_211 = arith.addi %add3A_106, %add3A_210 : i32
        %mul3A_212 = arith.constant 200 : i32
        %mul3A_213 = arith.muli %add3A_211, %mul3A_212 : i32
        %add3A_214 = arith.addi %mul3A_2, %mul3A_213 : i32
        %dma_start3A_215 = tpu.memref_slice %arg2[%add3A_214] : memref<819200xi32, #tpu.memory_space<hbm>> -> memref<200xi32, #tpu.memory_space<hbm>>
        %dma_start3A_216 = tpu.memref_slice %arg2[%add3A_214] : memref<819200xi32, #tpu.memory_space<hbm>> -> memref<200xi32, #tpu.memory_space<hbm>>
        tpu.enqueue_dma source(%dma_start3A_216 : memref<200xi32, #tpu.memory_space<hbm>>) target(%arg7 : memref<200xi32, #tpu.memory_space<vmem>>) target_semaphore(%arg16 : memref<!tpu.dma_semaphore, #tpu.memory_space<semaphore_mem>>)
      } else {
      }
      %scan3A_125 = arith.constant 0 : i32
      %scan3A_126 = arith.constant 0 : i32
      %scan3A_127 = arith.constant 200 : i32
      %scan3A_128 = arith.addi %scan3A_126, %scan3A_127 : i32
      %scan3A_129 = arith.constant 2 : i32
      scf.for %scan3A_210 = %scan3A_126 to %scan3A_128 step %scan3A_129  : i32 {
        %mul3A_211 = arith.constant 64 : i32
        %mul3A_212 = arith.muli %scan3A_210, %mul3A_211 : i32
        %add3A_213 = arith.constant 0 : i32
        %add3A_214 = arith.addi %mul3A_212, %add3A_213 : i32
        %get3A = arith.index_cast %add3A_214 : i32 to index
        %get3A_215 = tpu.vector_load %arg14[%get3A] {strides = array<i32>} : memref<12800xf32, #tpu.memory_space<vmem>>, vector<16xf32>,
        %get3A_216 = vector.shape_cast %get3A_215 : vector<16xf32> to vector<16xf32>
        %swap3A = arith.constant 0 : i32
        %swap3A_217 = arith.index_cast %scan3A_210 : i32 to index
        %swap3A_218 = arith.index_cast %swap3A : i32 to index
        %swap3A_219 = arith.constant 0 : index
        %swap3A_220 = tpu.vector_load %arg11[%swap3A_217, %swap3A_218, %swap3A_219] {strides = array<i32>} : memref<200x1x64xf32, #tpu.memory_space<vmem>>, vector<1x1x16xf32>,
        %swap3A_221 = vector.shape_cast %swap3A_220 : vector<1x1x16xf32> to vector<16xf32>
        %swap3A_222 = vector.shape_cast %get3A_216 : vector<16xf32> to vector<1x1x16xf32>
        tpu.vector_store %arg11[%swap3A_217, %swap3A_218, %swap3A_219], %swap3A_222 {add = true, strides = array<i32>} : memref<200x1x64xf32, #tpu.memory_space<vmem>>, vector<1x1x16xf32>,
        %mul3A_223 = arith.constant 64 : i32
        %mul3A_224 = arith.muli %scan3A_210, %mul3A_223 : i32
        %add3A_225 = arith.constant 16 : i32
        %add3A_226 = arith.addi %mul3A_224, %add3A_225 : i32
        %get3A_227 = arith.index_cast %add3A_226 : i32 to index
        %get3A_228 = tpu.vector_load %arg14[%get3A_227] {strides = array<i32>} : memref<12800xf32, #tpu.memory_space<vmem>>, vector<16xf32>,
        %get3A_229 = vector.shape_cast %get3A_228 : vector<16xf32> to vector<16xf32>
        %swap3A_230 = arith.constant 0 : i32
        %swap3A_231 = arith.index_cast %scan3A_210 : i32 to index
        %swap3A_232 = arith.index_cast %swap3A_230 : i32 to index
        %swap3A_233 = arith.constant 16 : index
        %swap3A_234 = tpu.vector_load %arg11[%swap3A_231, %swap3A_232, %swap3A_233] {strides = array<i32>} : memref<200x1x64xf32, #tpu.memory_space<vmem>>, vector<1x1x16xf32>,
        %swap3A_235 = vector.shape_cast %swap3A_234 : vector<1x1x16xf32> to vector<16xf32>
        %swap3A_236 = vector.shape_cast %get3A_229 : vector<16xf32> to vector<1x1x16xf32>
        tpu.vector_store %arg11[%swap3A_231, %swap3A_232, %swap3A_233], %swap3A_236 {add = true, strides = array<i32>} : memref<200x1x64xf32, #tpu.memory_space<vmem>>, vector<1x1x16xf32>,
        %mul3A_237 = arith.constant 64 : i32
        %mul3A_238 = arith.muli %scan3A_210, %mul3A_237 : i32
        %add3A_239 = arith.constant 32 : i32
        %add3A_240 = arith.addi %mul3A_238, %add3A_239 : i32
        %get3A_241 = arith.index_cast %add3A_240 : i32 to index
        %get3A_242 = tpu.vector_load %arg14[%get3A_241] {strides = array<i32>} : memref<12800xf32, #tpu.memory_space<vmem>>, vector<16xf32>,
        %get3A_243 = vector.shape_cast %get3A_242 : vector<16xf32> to vector<16xf32>
        %swap3A_244 = arith.constant 0 : i32
        %swap3A_245 = arith.index_cast %scan3A_210 : i32 to index
        %swap3A_246 = arith.index_cast %swap3A_244 : i32 to index
        %swap3A_247 = arith.constant 32 : index
        %swap3A_248 = tpu.vector_load %arg11[%swap3A_245, %swap3A_246, %swap3A_247] {strides = array<i32>} : memref<200x1x64xf32, #tpu.memory_space<vmem>>, vector<1x1x16xf32>,
        %swap3A_249 = vector.shape_cast %swap3A_248 : vector<1x1x16xf32> to vector<16xf32>
        %swap3A_250 = vector.shape_cast %get3A_243 : vector<16xf32> to vector<1x1x16xf32>
        tpu.vector_store %arg11[%swap3A_245, %swap3A_246, %swap3A_247], %swap3A_250 {add = true, strides = array<i32>} : memref<200x1x64xf32, #tpu.memory_space<vmem>>, vector<1x1x16xf32>,
        %mul3A_251 = arith.constant 64 : i32
        %mul3A_252 = arith.muli %scan3A_210, %mul3A_251 : i32
        %add3A_253 = arith.constant 48 : i32
        %add3A_254 = arith.addi %mul3A_252, %add3A_253 : i32
        %get3A_255 = arith.index_cast %add3A_254 : i32 to index
        %get3A_256 = tpu.vector_load %arg14[%get3A_255] {strides = array<i32>} : memref<12800xf32, #tpu.memory_space<vmem>>, vector<16xf32>,
        %get3A_257 = vector.shape_cast %get3A_256 : vector<16xf32> to vector<16xf32>
        %swap3A_258 = arith.constant 0 : i32
        %swap3A_259 = arith.index_cast %scan3A_210 : i32 to index
        %swap3A_260 = arith.index_cast %swap3A_258 : i32 to index
        %swap3A_261 = arith.constant 48 : index
        %swap3A_262 = tpu.vector_load %arg11[%swap3A_259, %swap3A_260, %swap3A_261] {strides = array<i32>} : memref<200x1x64xf32, #tpu.memory_space<vmem>>, vector<1x1x16xf32>,
        %swap3A_263 = vector.shape_cast %swap3A_262 : vector<1x1x16xf32> to vector<16xf32>
        %swap3A_264 = vector.shape_cast %get3A_257 : vector<16xf32> to vector<1x1x16xf32>
        tpu.vector_store %arg11[%swap3A_259, %swap3A_260, %swap3A_261], %swap3A_264 {add = true, strides = array<i32>} : memref<200x1x64xf32, #tpu.memory_space<vmem>>, vector<1x1x16xf32>,
        %scan3A_265 = arith.constant 1 : i32
        %scan3A_266 = arith.addi %scan3A_210, %scan3A_265 : i32
        %mul3A_267 = arith.constant 64 : i32
        %mul3A_268 = arith.muli %scan3A_266, %mul3A_267 : i32
        %add3A_269 = arith.constant 0 : i32
        %add3A_270 = arith.addi %mul3A_268, %add3A_269 : i32
        %get3A_271 = arith.index_cast %add3A_270 : i32 to index
        %get3A_272 = tpu.vector_load %arg14[%get3A_271] {strides = array<i32>} : memref<12800xf32, #tpu.memory_space<vmem>>, vector<16xf32>,
        %get3A_273 = vector.shape_cast %get3A_272 : vector<16xf32> to vector<16xf32>
        %swap3A_274 = arith.constant 0 : i32
        %swap3A_275 = arith.index_cast %scan3A_266 : i32 to index
        %swap3A_276 = arith.index_cast %swap3A_274 : i32 to index
        %swap3A_277 = arith.constant 0 : index
        %swap3A_278 = tpu.vector_load %arg11[%swap3A_275, %swap3A_276, %swap3A_277] {strides = array<i32>} : memref<200x1x64xf32, #tpu.memory_space<vmem>>, vector<1x1x16xf32>,
        %swap3A_279 = vector.shape_cast %swap3A_278 : vector<1x1x16xf32> to vector<16xf32>
        %swap3A_280 = vector.shape_cast %get3A_273 : vector<16xf32> to vector<1x1x16xf32>
        tpu.vector_store %arg11[%swap3A_275, %swap3A_276, %swap3A_277], %swap3A_280 {add = true, strides = array<i32>} : memref<200x1x64xf32, #tpu.memory_space<vmem>>, vector<1x1x16xf32>,
        %mul3A_281 = arith.constant 64 : i32
        %mul3A_282 = arith.muli %scan3A_266, %mul3A_281 : i32
        %add3A_283 = arith.constant 16 : i32
        %add3A_284 = arith.addi %mul3A_282, %add3A_283 : i32
        %get3A_285 = arith.index_cast %add3A_284 : i32 to index
        %get3A_286 = tpu.vector_load %arg14[%get3A_285] {strides = array<i32>} : memref<12800xf32, #tpu.memory_space<vmem>>, vector<16xf32>,
        %get3A_287 = vector.shape_cast %get3A_286 : vector<16xf32> to vector<16xf32>
        %swap3A_288 = arith.constant 0 : i32
        %swap3A_289 = arith.index_cast %scan3A_266 : i32 to index
        %swap3A_290 = arith.index_cast %swap3A_288 : i32 to index
        %swap3A_291 = arith.constant 16 : index
        %swap3A_292 = tpu.vector_load %arg11[%swap3A_289, %swap3A_290, %swap3A_291] {strides = array<i32>} : memref<200x1x64xf32, #tpu.memory_space<vmem>>, vector<1x1x16xf32>,
        %swap3A_293 = vector.shape_cast %swap3A_292 : vector<1x1x16xf32> to vector<16xf32>
        %swap3A_294 = vector.shape_cast %get3A_287 : vector<16xf32> to vector<1x1x16xf32>
        tpu.vector_store %arg11[%swap3A_289, %swap3A_290, %swap3A_291], %swap3A_294 {add = true, strides = array<i32>} : memref<200x1x64xf32, #tpu.memory_space<vmem>>, vector<1x1x16xf32>,
        %mul3A_295 = arith.constant 64 : i32
        %mul3A_296 = arith.muli %scan3A_266, %mul3A_295 : i32
        %add3A_297 = arith.constant 32 : i32
        %add3A_298 = arith.addi %mul3A_296, %add3A_297 : i32
        %get3A_299 = arith.index_cast %add3A_298 : i32 to index
        %get3A_300 = tpu.vector_load %arg14[%get3A_299] {strides = array<i32>} : memref<12800xf32, #tpu.memory_space<vmem>>, vector<16xf32>,
        %get3A_301 = vector.shape_cast %get3A_300 : vector<16xf32> to vector<16xf32>
        %swap3A_302 = arith.constant 0 : i32
        %swap3A_303 = arith.index_cast %scan3A_266 : i32 to index
        %swap3A_304 = arith.index_cast %swap3A_302 : i32 to index
        %swap3A_305 = arith.constant 32 : index
        %swap3A_306 = tpu.vector_load %arg11[%swap3A_303, %swap3A_304, %swap3A_305] {strides = array<i32>} : memref<200x1x64xf32, #tpu.memory_space<vmem>>, vector<1x1x16xf32>,
        %swap3A_307 = vector.shape_cast %swap3A_306 : vector<1x1x16xf32> to vector<16xf32>
        %swap3A_308 = vector.shape_cast %get3A_301 : vector<16xf32> to vector<1x1x16xf32>
        tpu.vector_store %arg11[%swap3A_303, %swap3A_304, %swap3A_305], %swap3A_308 {add = true, strides = array<i32>} : memref<200x1x64xf32, #tpu.memory_space<vmem>>, vector<1x1x16xf32>,
        %mul3A_309 = arith.constant 64 : i32
        %mul3A_310 = arith.muli %scan3A_266, %mul3A_309 : i32
        %add3A_311 = arith.constant 48 : i32
        %add3A_312 = arith.addi %mul3A_310, %add3A_311 : i32
        %get3A_313 = arith.index_cast %add3A_312 : i32 to index
        %get3A_314 = tpu.vector_load %arg14[%get3A_313] {strides = array<i32>} : memref<12800xf32, #tpu.memory_space<vmem>>, vector<16xf32>,
        %get3A_315 = vector.shape_cast %get3A_314 : vector<16xf32> to vector<16xf32>
        %swap3A_316 = arith.constant 0 : i32
        %swap3A_317 = arith.index_cast %scan3A_266 : i32 to index
        %swap3A_318 = arith.index_cast %swap3A_316 : i32 to index
        %swap3A_319 = arith.constant 48 : index
        %swap3A_320 = tpu.vector_load %arg11[%swap3A_317, %swap3A_318, %swap3A_319] {strides = array<i32>} : memref<200x1x64xf32, #tpu.memory_space<vmem>>, vector<1x1x16xf32>,
        %swap3A_321 = vector.shape_cast %swap3A_320 : vector<1x1x16xf32> to vector<16xf32>
        %swap3A_322 = vector.shape_cast %get3A_315 : vector<16xf32> to vector<1x1x16xf32>
        tpu.vector_store %arg11[%swap3A_317, %swap3A_318, %swap3A_319], %swap3A_322 {add = true, strides = array<i32>} : memref<200x1x64xf32, #tpu.memory_space<vmem>>, vector<1x1x16xf32>,
      }
      %scan3A_130 = arith.constant 200 : i32
      %mul3A_131 = arith.constant 200 : i32
      %mul3A_132 = arith.muli %add3A_106, %mul3A_131 : i32
      %add3A_133 = arith.addi %mul3A_2, %mul3A_132 : i32
      %dma_start3A_134 = arith.constant 0 : i32
      %dma_start3A_135 = arith.constant 0 : i32
      %dma_start3A_136 = tpu.memref_slice %arg5[%add3A_133, %dma_start3A_134, %dma_start3A_135] : memref<819200x1x64xf32, #tpu.memory_space<hbm>> -> memref<200x1x64xf32, #tpu.memory_space<hbm>>
      %dma_start3A_137 = arith.constant 0 : i32
      %dma_start3A_138 = arith.constant 0 : i32
      %dma_start3A_139 = tpu.memref_slice %arg5[%add3A_133, %dma_start3A_137, %dma_start3A_138] : memref<819200x1x64xf32, #tpu.memory_space<hbm>> -> memref<200x1x64xf32, #tpu.memory_space<hbm>>
      tpu.enqueue_dma source(%arg11 : memref<200x1x64xf32, #tpu.memory_space<vmem>>) target(%dma_start3A_139 : memref<200x1x64xf32, #tpu.memory_space<hbm>>) target_semaphore(%arg24 : memref<!tpu.dma_semaphore, #tpu.memory_space<semaphore_mem>>)
      %add3A_140 = arith.constant 2 : i32
      %add3A_141 = arith.addi %mul3A_72, %add3A_140 : i32
      %add3A_142 = arith.constant 2 : i32
      %add3A_143 = arith.addi %add3A_141, %add3A_142 : i32
      %lt3A_144 = arith.constant 128 : i32
      %lt3A_145 = arith.cmpi slt, %add3A_143, %lt3A_144 : i32
      %convert_element_type3A_146 = arith.extui %lt3A_145 : i1 to i32
      %cond3A_147 = arith.constant 0 : i32
      %cond3A_148 = arith.cmpi ne, %convert_element_type3A_146, %cond3A_147 : i32
      scf.if %cond3A_148 {
        %add3A_210 = arith.constant 2 : i32
        %add3A_211 = arith.addi %add3A_141, %add3A_210 : i32
        %mul3A_212 = arith.constant 200 : i32
        %mul3A_213 = arith.muli %add3A_211, %mul3A_212 : i32
        %add3A_214 = arith.addi %mul3A_2, %mul3A_213 : i32
        %dma_wait3A_215 = tpu.memref_slice %arg2[%add3A_214] : memref<819200xi32, #tpu.memory_space<hbm>> -> memref<200xi32, #tpu.memory_space<hbm>>
        %dma_wait3A_216 = tpu.memref_slice %arg2[%add3A_214] : memref<819200xi32, #tpu.memory_space<hbm>> -> memref<200xi32, #tpu.memory_space<hbm>>
        tpu.wait_dma2 semaphore(%arg15 : memref<!tpu.dma_semaphore, #tpu.memory_space<semaphore_mem>>) src(%dma_wait3A_216 : memref<200xi32, #tpu.memory_space<hbm>>) dst(%arg6 : memref<200xi32, #tpu.memory_space<vmem>>)
        %ge3A = arith.constant 2 : i32
        %ge3A_217 = arith.cmpi sge, %add3A_141, %ge3A : i32
        %convert_element_type3A_218 = arith.extui %ge3A_217 : i1 to i32
        %cond3A_219 = arith.constant 0 : i32
        %cond3A_220 = arith.cmpi ne, %convert_element_type3A_218, %cond3A_219 : i32
        scf.if %cond3A_220 {
          %sub3A = arith.constant 2 : i32
          %sub3A_225 = arith.subi %add3A_141, %sub3A : i32
          %mul3A_226 = arith.constant 200 : i32
          %mul3A_227 = arith.muli %sub3A_225, %mul3A_226 : i32
          %add3A_228 = arith.addi %mul3A_2, %mul3A_227 : i32
          %dma_wait3A_229 = arith.constant 0 : i32
          %dma_wait3A_230 = arith.constant 0 : i32
          %dma_wait3A_231 = tpu.memref_slice %arg5[%add3A_228, %dma_wait3A_229, %dma_wait3A_230] : memref<819200x1x64xf32, #tpu.memory_space<hbm>> -> memref<200x1x64xf32, #tpu.memory_space<hbm>>
          %dma_wait3A_232 = arith.constant 0 : i32
          %dma_wait3A_233 = arith.constant 0 : i32
          %dma_wait3A_234 = tpu.memref_slice %arg5[%add3A_228, %dma_wait3A_232, %dma_wait3A_233] : memref<819200x1x64xf32, #tpu.memory_space<hbm>> -> memref<200x1x64xf32, #tpu.memory_space<hbm>>
          tpu.wait_dma2 semaphore(%arg23 : memref<!tpu.dma_semaphore, #tpu.memory_space<semaphore_mem>>) src(%arg10 : memref<200x1x64xf32, #tpu.memory_space<vmem>>) dst(%dma_wait3A_234 : memref<200x1x64xf32, #tpu.memory_space<hbm>>)
        } else {
        }
        %dma_start3A_221 = arith.constant 0 : i32
        %dma_start3A_222 = arith.constant 0 : i32
        %dma_start3A_223 = arith.constant 0 : i32
        %dma_start3A_224 = tpu.memref_slice %arg3[%dma_start3A_221, %dma_start3A_222, %dma_start3A_223] : memref<1000000x1x64xf32, #tpu.memory_space<hbm>> -> memref<1000000x1x64xf32, #tpu.memory_space<hbm>>
        tpu.enqueue_indirect_dma source(%dma_start3A_224 : memref<1000000x1x64xf32, #tpu.memory_space<hbm>>) target(%arg10 : memref<200x1x64xf32, #tpu.memory_space<vmem>>) offsets(%arg6 : memref<200xi32, #tpu.memory_space<vmem>>) semaphore(%arg19 : memref<!tpu.dma_semaphore, #tpu.memory_space<semaphore_mem>>)
      } else {
      }
      %dma_wait3A_149 = arith.constant 0 : i32
      %dma_wait3A_150 = arith.constant 0 : i32
      %dma_wait3A_151 = arith.constant 0 : i32
      %dma_wait3A_152 = tpu.memref_slice %arg3[%dma_wait3A_149, %dma_wait3A_150, %dma_wait3A_151] : memref<1000000x1x64xf32, #tpu.memory_space<hbm>> -> memref<1000000x1x64xf32, #tpu.memory_space<hbm>>
      tpu.wait_indirect_dma semaphore(%arg21 : memref<!tpu.dma_semaphore, #tpu.memory_space<semaphore_mem>>) src(%dma_wait3A_152 : memref<1000000x1x64xf32, #tpu.memory_space<hbm>>) dst(%arg12 : memref<200x1x64xf32, #tpu.memory_space<vmem>>)
      %add3A_153 = arith.constant 4 : i32
      %add3A_154 = arith.addi %add3A_141, %add3A_153 : i32
      %lt3A_155 = arith.constant 128 : i32
      %lt3A_156 = arith.cmpi slt, %add3A_154, %lt3A_155 : i32
      %convert_element_type3A_157 = arith.extui %lt3A_156 : i1 to i32
      %cond3A_158 = arith.constant 0 : i32
      %cond3A_159 = arith.cmpi ne, %convert_element_type3A_157, %cond3A_158 : i32
      scf.if %cond3A_159 {
        %add3A_210 = arith.constant 4 : i32
        %add3A_211 = arith.addi %add3A_141, %add3A_210 : i32
        %mul3A_212 = arith.constant 200 : i32
        %mul3A_213 = arith.muli %add3A_211, %mul3A_212 : i32
        %add3A_214 = arith.addi %mul3A_2, %mul3A_213 : i32
        %dma_start3A_215 = tpu.memref_slice %arg2[%add3A_214] : memref<819200xi32, #tpu.memory_space<hbm>> -> memref<200xi32, #tpu.memory_space<hbm>>
        %dma_start3A_216 = tpu.memref_slice %arg2[%add3A_214] : memref<819200xi32, #tpu.memory_space<hbm>> -> memref<200xi32, #tpu.memory_space<hbm>>
        tpu.enqueue_dma source(%dma_start3A_216 : memref<200xi32, #tpu.memory_space<hbm>>) target(%arg8 : memref<200xi32, #tpu.memory_space<vmem>>) target_semaphore(%arg17 : memref<!tpu.dma_semaphore, #tpu.memory_space<semaphore_mem>>)
      } else {
      }
      %scan3A_160 = arith.constant 0 : i32
      %scan3A_161 = arith.constant 0 : i32
      %scan3A_162 = arith.constant 200 : i32
      %scan3A_163 = arith.addi %scan3A_161, %scan3A_162 : i32
      %scan3A_164 = arith.constant 2 : i32
      scf.for %scan3A_210 = %scan3A_161 to %scan3A_163 step %scan3A_164  : i32 {
        %mul3A_211 = arith.constant 64 : i32
        %mul3A_212 = arith.muli %scan3A_210, %mul3A_211 : i32
        %add3A_213 = arith.constant 0 : i32
        %add3A_214 = arith.addi %mul3A_212, %add3A_213 : i32
        %get3A = arith.index_cast %add3A_214 : i32 to index
        %get3A_215 = tpu.vector_load %arg14[%get3A] {strides = array<i32>} : memref<12800xf32, #tpu.memory_space<vmem>>, vector<16xf32>,
        %get3A_216 = vector.shape_cast %get3A_215 : vector<16xf32> to vector<16xf32>
        %swap3A = arith.constant 0 : i32
        %swap3A_217 = arith.index_cast %scan3A_210 : i32 to index
        %swap3A_218 = arith.index_cast %swap3A : i32 to index
        %swap3A_219 = arith.constant 0 : index
        %swap3A_220 = tpu.vector_load %arg12[%swap3A_217, %swap3A_218, %swap3A_219] {strides = array<i32>} : memref<200x1x64xf32, #tpu.memory_space<vmem>>, vector<1x1x16xf32>,
        %swap3A_221 = vector.shape_cast %swap3A_220 : vector<1x1x16xf32> to vector<16xf32>
        %swap3A_222 = vector.shape_cast %get3A_216 : vector<16xf32> to vector<1x1x16xf32>
        tpu.vector_store %arg12[%swap3A_217, %swap3A_218, %swap3A_219], %swap3A_222 {add = true, strides = array<i32>} : memref<200x1x64xf32, #tpu.memory_space<vmem>>, vector<1x1x16xf32>,
        %mul3A_223 = arith.constant 64 : i32
        %mul3A_224 = arith.muli %scan3A_210, %mul3A_223 : i32
        %add3A_225 = arith.constant 16 : i32
        %add3A_226 = arith.addi %mul3A_224, %add3A_225 : i32
        %get3A_227 = arith.index_cast %add3A_226 : i32 to index
        %get3A_228 = tpu.vector_load %arg14[%get3A_227] {strides = array<i32>} : memref<12800xf32, #tpu.memory_space<vmem>>, vector<16xf32>,
        %get3A_229 = vector.shape_cast %get3A_228 : vector<16xf32> to vector<16xf32>
        %swap3A_230 = arith.constant 0 : i32
        %swap3A_231 = arith.index_cast %scan3A_210 : i32 to index
        %swap3A_232 = arith.index_cast %swap3A_230 : i32 to index
        %swap3A_233 = arith.constant 16 : index
        %swap3A_234 = tpu.vector_load %arg12[%swap3A_231, %swap3A_232, %swap3A_233] {strides = array<i32>} : memref<200x1x64xf32, #tpu.memory_space<vmem>>, vector<1x1x16xf32>,
        %swap3A_235 = vector.shape_cast %swap3A_234 : vector<1x1x16xf32> to vector<16xf32>
        %swap3A_236 = vector.shape_cast %get3A_229 : vector<16xf32> to vector<1x1x16xf32>
        tpu.vector_store %arg12[%swap3A_231, %swap3A_232, %swap3A_233], %swap3A_236 {add = true, strides = array<i32>} : memref<200x1x64xf32, #tpu.memory_space<vmem>>, vector<1x1x16xf32>,
        %mul3A_237 = arith.constant 64 : i32
        %mul3A_238 = arith.muli %scan3A_210, %mul3A_237 : i32
        %add3A_239 = arith.constant 32 : i32
        %add3A_240 = arith.addi %mul3A_238, %add3A_239 : i32
        %get3A_241 = arith.index_cast %add3A_240 : i32 to index
        %get3A_242 = tpu.vector_load %arg14[%get3A_241] {strides = array<i32>} : memref<12800xf32, #tpu.memory_space<vmem>>, vector<16xf32>,
        %get3A_243 = vector.shape_cast %get3A_242 : vector<16xf32> to vector<16xf32>
        %swap3A_244 = arith.constant 0 : i32
        %swap3A_245 = arith.index_cast %scan3A_210 : i32 to index
        %swap3A_246 = arith.index_cast %swap3A_244 : i32 to index
        %swap3A_247 = arith.constant 32 : index
        %swap3A_248 = tpu.vector_load %arg12[%swap3A_245, %swap3A_246, %swap3A_247] {strides = array<i32>} : memref<200x1x64xf32, #tpu.memory_space<vmem>>, vector<1x1x16xf32>,
        %swap3A_249 = vector.shape_cast %swap3A_248 : vector<1x1x16xf32> to vector<16xf32>
        %swap3A_250 = vector.shape_cast %get3A_243 : vector<16xf32> to vector<1x1x16xf32>
        tpu.vector_store %arg12[%swap3A_245, %swap3A_246, %swap3A_247], %swap3A_250 {add = true, strides = array<i32>} : memref<200x1x64xf32, #tpu.memory_space<vmem>>, vector<1x1x16xf32>,
        %mul3A_251 = arith.constant 64 : i32
        %mul3A_252 = arith.muli %scan3A_210, %mul3A_251 : i32
        %add3A_253 = arith.constant 48 : i32
        %add3A_254 = arith.addi %mul3A_252, %add3A_253 : i32
        %get3A_255 = arith.index_cast %add3A_254 : i32 to index
        %get3A_256 = tpu.vector_load %arg14[%get3A_255] {strides = array<i32>} : memref<12800xf32, #tpu.memory_space<vmem>>, vector<16xf32>,
        %get3A_257 = vector.shape_cast %get3A_256 : vector<16xf32> to vector<16xf32>
        %swap3A_258 = arith.constant 0 : i32
        %swap3A_259 = arith.index_cast %scan3A_210 : i32 to index
        %swap3A_260 = arith.index_cast %swap3A_258 : i32 to index
        %swap3A_261 = arith.constant 48 : index
        %swap3A_262 = tpu.vector_load %arg12[%swap3A_259, %swap3A_260, %swap3A_261] {strides = array<i32>} : memref<200x1x64xf32, #tpu.memory_space<vmem>>, vector<1x1x16xf32>,
        %swap3A_263 = vector.shape_cast %swap3A_262 : vector<1x1x16xf32> to vector<16xf32>
        %swap3A_264 = vector.shape_cast %get3A_257 : vector<16xf32> to vector<1x1x16xf32>
        tpu.vector_store %arg12[%swap3A_259, %swap3A_260, %swap3A_261], %swap3A_264 {add = true, strides = array<i32>} : memref<200x1x64xf32, #tpu.memory_space<vmem>>, vector<1x1x16xf32>,
        %scan3A_265 = arith.constant 1 : i32
        %scan3A_266 = arith.addi %scan3A_210, %scan3A_265 : i32
        %mul3A_267 = arith.constant 64 : i32
        %mul3A_268 = arith.muli %scan3A_266, %mul3A_267 : i32
        %add3A_269 = arith.constant 0 : i32
        %add3A_270 = arith.addi %mul3A_268, %add3A_269 : i32
        %get3A_271 = arith.index_cast %add3A_270 : i32 to index
        %get3A_272 = tpu.vector_load %arg14[%get3A_271] {strides = array<i32>} : memref<12800xf32, #tpu.memory_space<vmem>>, vector<16xf32>,
        %get3A_273 = vector.shape_cast %get3A_272 : vector<16xf32> to vector<16xf32>
        %swap3A_274 = arith.constant 0 : i32
        %swap3A_275 = arith.index_cast %scan3A_266 : i32 to index
        %swap3A_276 = arith.index_cast %swap3A_274 : i32 to index
        %swap3A_277 = arith.constant 0 : index
        %swap3A_278 = tpu.vector_load %arg12[%swap3A_275, %swap3A_276, %swap3A_277] {strides = array<i32>} : memref<200x1x64xf32, #tpu.memory_space<vmem>>, vector<1x1x16xf32>,
        %swap3A_279 = vector.shape_cast %swap3A_278 : vector<1x1x16xf32> to vector<16xf32>
        %swap3A_280 = vector.shape_cast %get3A_273 : vector<16xf32> to vector<1x1x16xf32>
        tpu.vector_store %arg12[%swap3A_275, %swap3A_276, %swap3A_277], %swap3A_280 {add = true, strides = array<i32>} : memref<200x1x64xf32, #tpu.memory_space<vmem>>, vector<1x1x16xf32>,
        %mul3A_281 = arith.constant 64 : i32
        %mul3A_282 = arith.muli %scan3A_266, %mul3A_281 : i32
        %add3A_283 = arith.constant 16 : i32
        %add3A_284 = arith.addi %mul3A_282, %add3A_283 : i32
        %get3A_285 = arith.index_cast %add3A_284 : i32 to index
        %get3A_286 = tpu.vector_load %arg14[%get3A_285] {strides = array<i32>} : memref<12800xf32, #tpu.memory_space<vmem>>, vector<16xf32>,
        %get3A_287 = vector.shape_cast %get3A_286 : vector<16xf32> to vector<16xf32>
        %swap3A_288 = arith.constant 0 : i32
        %swap3A_289 = arith.index_cast %scan3A_266 : i32 to index
        %swap3A_290 = arith.index_cast %swap3A_288 : i32 to index
        %swap3A_291 = arith.constant 16 : index
        %swap3A_292 = tpu.vector_load %arg12[%swap3A_289, %swap3A_290, %swap3A_291] {strides = array<i32>} : memref<200x1x64xf32, #tpu.memory_space<vmem>>, vector<1x1x16xf32>,
        %swap3A_293 = vector.shape_cast %swap3A_292 : vector<1x1x16xf32> to vector<16xf32>
        %swap3A_294 = vector.shape_cast %get3A_287 : vector<16xf32> to vector<1x1x16xf32>
        tpu.vector_store %arg12[%swap3A_289, %swap3A_290, %swap3A_291], %swap3A_294 {add = true, strides = array<i32>} : memref<200x1x64xf32, #tpu.memory_space<vmem>>, vector<1x1x16xf32>,
        %mul3A_295 = arith.constant 64 : i32
        %mul3A_296 = arith.muli %scan3A_266, %mul3A_295 : i32
        %add3A_297 = arith.constant 32 : i32
        %add3A_298 = arith.addi %mul3A_296, %add3A_297 : i32
        %get3A_299 = arith.index_cast %add3A_298 : i32 to index
        %get3A_300 = tpu.vector_load %arg14[%get3A_299] {strides = array<i32>} : memref<12800xf32, #tpu.memory_space<vmem>>, vector<16xf32>,
        %get3A_301 = vector.shape_cast %get3A_300 : vector<16xf32> to vector<16xf32>
        %swap3A_302 = arith.constant 0 : i32
        %swap3A_303 = arith.index_cast %scan3A_266 : i32 to index
        %swap3A_304 = arith.index_cast %swap3A_302 : i32 to index
        %swap3A_305 = arith.constant 32 : index
        %swap3A_306 = tpu.vector_load %arg12[%swap3A_303, %swap3A_304, %swap3A_305] {strides = array<i32>} : memref<200x1x64xf32, #tpu.memory_space<vmem>>, vector<1x1x16xf32>,
        %swap3A_307 = vector.shape_cast %swap3A_306 : vector<1x1x16xf32> to vector<16xf32>
        %swap3A_308 = vector.shape_cast %get3A_301 : vector<16xf32> to vector<1x1x16xf32>
        tpu.vector_store %arg12[%swap3A_303, %swap3A_304, %swap3A_305], %swap3A_308 {add = true, strides = array<i32>} : memref<200x1x64xf32, #tpu.memory_space<vmem>>, vector<1x1x16xf32>,
        %mul3A_309 = arith.constant 64 : i32
        %mul3A_310 = arith.muli %scan3A_266, %mul3A_309 : i32
        %add3A_311 = arith.constant 48 : i32
        %add3A_312 = arith.addi %mul3A_310, %add3A_311 : i32
        %get3A_313 = arith.index_cast %add3A_312 : i32 to index
        %get3A_314 = tpu.vector_load %arg14[%get3A_313] {strides = array<i32>} : memref<12800xf32, #tpu.memory_space<vmem>>, vector<16xf32>,
        %get3A_315 = vector.shape_cast %get3A_314 : vector<16xf32> to vector<16xf32>
        %swap3A_316 = arith.constant 0 : i32
        %swap3A_317 = arith.index_cast %scan3A_266 : i32 to index
        %swap3A_318 = arith.index_cast %swap3A_316 : i32 to index
        %swap3A_319 = arith.constant 48 : index
        %swap3A_320 = tpu.vector_load %arg12[%swap3A_317, %swap3A_318, %swap3A_319] {strides = array<i32>} : memref<200x1x64xf32, #tpu.memory_space<vmem>>, vector<1x1x16xf32>,
        %swap3A_321 = vector.shape_cast %swap3A_320 : vector<1x1x16xf32> to vector<16xf32>
        %swap3A_322 = vector.shape_cast %get3A_315 : vector<16xf32> to vector<1x1x16xf32>
        tpu.vector_store %arg12[%swap3A_317, %swap3A_318, %swap3A_319], %swap3A_322 {add = true, strides = array<i32>} : memref<200x1x64xf32, #tpu.memory_space<vmem>>, vector<1x1x16xf32>,
      }
      %scan3A_165 = arith.constant 200 : i32
      %mul3A_166 = arith.constant 200 : i32
      %mul3A_167 = arith.muli %add3A_141, %mul3A_166 : i32
      %add3A_168 = arith.addi %mul3A_2, %mul3A_167 : i32
      %dma_start3A_169 = arith.constant 0 : i32
      %dma_start3A_170 = arith.constant 0 : i32
      %dma_start3A_171 = tpu.memref_slice %arg5[%add3A_168, %dma_start3A_169, %dma_start3A_170] : memref<819200x1x64xf32, #tpu.memory_space<hbm>> -> memref<200x1x64xf32, #tpu.memory_space<hbm>>
      %dma_start3A_172 = arith.constant 0 : i32
      %dma_start3A_173 = arith.constant 0 : i32
      %dma_start3A_174 = tpu.memref_slice %arg5[%add3A_168, %dma_start3A_172, %dma_start3A_173] : memref<819200x1x64xf32, #tpu.memory_space<hbm>> -> memref<200x1x64xf32, #tpu.memory_space<hbm>>
      tpu.enqueue_dma source(%arg12 : memref<200x1x64xf32, #tpu.memory_space<vmem>>) target(%dma_start3A_174 : memref<200x1x64xf32, #tpu.memory_space<hbm>>) target_semaphore(%arg25 : memref<!tpu.dma_semaphore, #tpu.memory_space<semaphore_mem>>)
      %add3A_175 = arith.constant 3 : i32
      %add3A_176 = arith.addi %mul3A_72, %add3A_175 : i32
      %add3A_177 = arith.constant 2 : i32
      %add3A_178 = arith.addi %add3A_176, %add3A_177 : i32
      %lt3A_179 = arith.constant 128 : i32
      %lt3A_180 = arith.cmpi slt, %add3A_178, %lt3A_179 : i32
      %convert_element_type3A_181 = arith.extui %lt3A_180 : i1 to i32
      %cond3A_182 = arith.constant 0 : i32
      %cond3A_183 = arith.cmpi ne, %convert_element_type3A_181, %cond3A_182 : i32
      scf.if %cond3A_183 {
        %add3A_210 = arith.constant 2 : i32
        %add3A_211 = arith.addi %add3A_176, %add3A_210 : i32
        %mul3A_212 = arith.constant 200 : i32
        %mul3A_213 = arith.muli %add3A_211, %mul3A_212 : i32
        %add3A_214 = arith.addi %mul3A_2, %mul3A_213 : i32
        %dma_wait3A_215 = tpu.memref_slice %arg2[%add3A_214] : memref<819200xi32, #tpu.memory_space<hbm>> -> memref<200xi32, #tpu.memory_space<hbm>>
        %dma_wait3A_216 = tpu.memref_slice %arg2[%add3A_214] : memref<819200xi32, #tpu.memory_space<hbm>> -> memref<200xi32, #tpu.memory_space<hbm>>
        tpu.wait_dma2 semaphore(%arg16 : memref<!tpu.dma_semaphore, #tpu.memory_space<semaphore_mem>>) src(%dma_wait3A_216 : memref<200xi32, #tpu.memory_space<hbm>>) dst(%arg7 : memref<200xi32, #tpu.memory_space<vmem>>)
        %ge3A = arith.constant 2 : i32
        %ge3A_217 = arith.cmpi sge, %add3A_176, %ge3A : i32
        %convert_element_type3A_218 = arith.extui %ge3A_217 : i1 to i32
        %cond3A_219 = arith.constant 0 : i32
        %cond3A_220 = arith.cmpi ne, %convert_element_type3A_218, %cond3A_219 : i32
        scf.if %cond3A_220 {
          %sub3A = arith.constant 2 : i32
          %sub3A_225 = arith.subi %add3A_176, %sub3A : i32
          %mul3A_226 = arith.constant 200 : i32
          %mul3A_227 = arith.muli %sub3A_225, %mul3A_226 : i32
          %add3A_228 = arith.addi %mul3A_2, %mul3A_227 : i32
          %dma_wait3A_229 = arith.constant 0 : i32
          %dma_wait3A_230 = arith.constant 0 : i32
          %dma_wait3A_231 = tpu.memref_slice %arg5[%add3A_228, %dma_wait3A_229, %dma_wait3A_230] : memref<819200x1x64xf32, #tpu.memory_space<hbm>> -> memref<200x1x64xf32, #tpu.memory_space<hbm>>
          %dma_wait3A_232 = arith.constant 0 : i32
          %dma_wait3A_233 = arith.constant 0 : i32
          %dma_wait3A_234 = tpu.memref_slice %arg5[%add3A_228, %dma_wait3A_232, %dma_wait3A_233] : memref<819200x1x64xf32, #tpu.memory_space<hbm>> -> memref<200x1x64xf32, #tpu.memory_space<hbm>>
          tpu.wait_dma2 semaphore(%arg24 : memref<!tpu.dma_semaphore, #tpu.memory_space<semaphore_mem>>) src(%arg11 : memref<200x1x64xf32, #tpu.memory_space<vmem>>) dst(%dma_wait3A_234 : memref<200x1x64xf32, #tpu.memory_space<hbm>>)
        } else {
        }
        %dma_start3A_221 = arith.constant 0 : i32
        %dma_start3A_222 = arith.constant 0 : i32
        %dma_start3A_223 = arith.constant 0 : i32
        %dma_start3A_224 = tpu.memref_slice %arg3[%dma_start3A_221, %dma_start3A_222, %dma_start3A_223] : memref<1000000x1x64xf32, #tpu.memory_space<hbm>> -> memref<1000000x1x64xf32, #tpu.memory_space<hbm>>
        tpu.enqueue_indirect_dma source(%dma_start3A_224 : memref<1000000x1x64xf32, #tpu.memory_space<hbm>>) target(%arg11 : memref<200x1x64xf32, #tpu.memory_space<vmem>>) offsets(%arg7 : memref<200xi32, #tpu.memory_space<vmem>>) semaphore(%arg20 : memref<!tpu.dma_semaphore, #tpu.memory_space<semaphore_mem>>)
      } else {
      }
      %dma_wait3A_184 = arith.constant 0 : i32
      %dma_wait3A_185 = arith.constant 0 : i32
      %dma_wait3A_186 = arith.constant 0 : i32
      %dma_wait3A_187 = tpu.memref_slice %arg3[%dma_wait3A_184, %dma_wait3A_185, %dma_wait3A_186] : memref<1000000x1x64xf32, #tpu.memory_space<hbm>> -> memref<1000000x1x64xf32, #tpu.memory_space<hbm>>
      tpu.wait_indirect_dma semaphore(%arg22 : memref<!tpu.dma_semaphore, #tpu.memory_space<semaphore_mem>>) src(%dma_wait3A_187 : memref<1000000x1x64xf32, #tpu.memory_space<hbm>>) dst(%arg13 : memref<200x1x64xf32, #tpu.memory_space<vmem>>)
      %add3A_188 = arith.constant 4 : i32
      %add3A_189 = arith.addi %add3A_176, %add3A_188 : i32
      %lt3A_190 = arith.constant 128 : i32
      %lt3A_191 = arith.cmpi slt, %add3A_189, %lt3A_190 : i32
      %convert_element_type3A_192 = arith.extui %lt3A_191 : i1 to i32
      %cond3A_193 = arith.constant 0 : i32
      %cond3A_194 = arith.cmpi ne, %convert_element_type3A_192, %cond3A_193 : i32
      scf.if %cond3A_194 {
        %add3A_210 = arith.constant 4 : i32
        %add3A_211 = arith.addi %add3A_176, %add3A_210 : i32
        %mul3A_212 = arith.constant 200 : i32
        %mul3A_213 = arith.muli %add3A_211, %mul3A_212 : i32
        %add3A_214 = arith.addi %mul3A_2, %mul3A_213 : i32
        %dma_start3A_215 = tpu.memref_slice %arg2[%add3A_214] : memref<819200xi32, #tpu.memory_space<hbm>> -> memref<200xi32, #tpu.memory_space<hbm>>
        %dma_start3A_216 = tpu.memref_slice %arg2[%add3A_214] : memref<819200xi32, #tpu.memory_space<hbm>> -> memref<200xi32, #tpu.memory_space<hbm>>
        tpu.enqueue_dma source(%dma_start3A_216 : memref<200xi32, #tpu.memory_space<hbm>>) target(%arg9 : memref<200xi32, #tpu.memory_space<vmem>>) target_semaphore(%arg18 : memref<!tpu.dma_semaphore, #tpu.memory_space<semaphore_mem>>)
      } else {
      }
      %scan3A_195 = arith.constant 0 : i32
      %scan3A_196 = arith.constant 0 : i32
      %scan3A_197 = arith.constant 200 : i32
      %scan3A_198 = arith.addi %scan3A_196, %scan3A_197 : i32
      %scan3A_199 = arith.constant 2 : i32
      scf.for %scan3A_210 = %scan3A_196 to %scan3A_198 step %scan3A_199  : i32 {
        %mul3A_211 = arith.constant 64 : i32
        %mul3A_212 = arith.muli %scan3A_210, %mul3A_211 : i32
        %add3A_213 = arith.constant 0 : i32
        %add3A_214 = arith.addi %mul3A_212, %add3A_213 : i32
        %get3A = arith.index_cast %add3A_214 : i32 to index
        %get3A_215 = tpu.vector_load %arg14[%get3A] {strides = array<i32>} : memref<12800xf32, #tpu.memory_space<vmem>>, vector<16xf32>,
        %get3A_216 = vector.shape_cast %get3A_215 : vector<16xf32> to vector<16xf32>
        %swap3A = arith.constant 0 : i32
        %swap3A_217 = arith.index_cast %scan3A_210 : i32 to index
        %swap3A_218 = arith.index_cast %swap3A : i32 to index
        %swap3A_219 = arith.constant 0 : index
        %swap3A_220 = tpu.vector_load %arg13[%swap3A_217, %swap3A_218, %swap3A_219] {strides = array<i32>} : memref<200x1x64xf32, #tpu.memory_space<vmem>>, vector<1x1x16xf32>,
        %swap3A_221 = vector.shape_cast %swap3A_220 : vector<1x1x16xf32> to vector<16xf32>
        %swap3A_222 = vector.shape_cast %get3A_216 : vector<16xf32> to vector<1x1x16xf32>
        tpu.vector_store %arg13[%swap3A_217, %swap3A_218, %swap3A_219], %swap3A_222 {add = true, strides = array<i32>} : memref<200x1x64xf32, #tpu.memory_space<vmem>>, vector<1x1x16xf32>,
        %mul3A_223 = arith.constant 64 : i32
        %mul3A_224 = arith.muli %scan3A_210, %mul3A_223 : i32
        %add3A_225 = arith.constant 16 : i32
        %add3A_226 = arith.addi %mul3A_224, %add3A_225 : i32
        %get3A_227 = arith.index_cast %add3A_226 : i32 to index
        %get3A_228 = tpu.vector_load %arg14[%get3A_227] {strides = array<i32>} : memref<12800xf32, #tpu.memory_space<vmem>>, vector<16xf32>,
        %get3A_229 = vector.shape_cast %get3A_228 : vector<16xf32> to vector<16xf32>
        %swap3A_230 = arith.constant 0 : i32
        %swap3A_231 = arith.index_cast %scan3A_210 : i32 to index
        %swap3A_232 = arith.index_cast %swap3A_230 : i32 to index
        %swap3A_233 = arith.constant 16 : index
        %swap3A_234 = tpu.vector_load %arg13[%swap3A_231, %swap3A_232, %swap3A_233] {strides = array<i32>} : memref<200x1x64xf32, #tpu.memory_space<vmem>>, vector<1x1x16xf32>,
        %swap3A_235 = vector.shape_cast %swap3A_234 : vector<1x1x16xf32> to vector<16xf32>
        %swap3A_236 = vector.shape_cast %get3A_229 : vector<16xf32> to vector<1x1x16xf32>
        tpu.vector_store %arg13[%swap3A_231, %swap3A_232, %swap3A_233], %swap3A_236 {add = true, strides = array<i32>} : memref<200x1x64xf32, #tpu.memory_space<vmem>>, vector<1x1x16xf32>,
        %mul3A_237 = arith.constant 64 : i32
        %mul3A_238 = arith.muli %scan3A_210, %mul3A_237 : i32
        %add3A_239 = arith.constant 32 : i32
        %add3A_240 = arith.addi %mul3A_238, %add3A_239 : i32
        %get3A_241 = arith.index_cast %add3A_240 : i32 to index
        %get3A_242 = tpu.vector_load %arg14[%get3A_241] {strides = array<i32>} : memref<12800xf32, #tpu.memory_space<vmem>>, vector<16xf32>,
        %get3A_243 = vector.shape_cast %get3A_242 : vector<16xf32> to vector<16xf32>
        %swap3A_244 = arith.constant 0 : i32
        %swap3A_245 = arith.index_cast %scan3A_210 : i32 to index
        %swap3A_246 = arith.index_cast %swap3A_244 : i32 to index
        %swap3A_247 = arith.constant 32 : index
        %swap3A_248 = tpu.vector_load %arg13[%swap3A_245, %swap3A_246, %swap3A_247] {strides = array<i32>} : memref<200x1x64xf32, #tpu.memory_space<vmem>>, vector<1x1x16xf32>,
        %swap3A_249 = vector.shape_cast %swap3A_248 : vector<1x1x16xf32> to vector<16xf32>
        %swap3A_250 = vector.shape_cast %get3A_243 : vector<16xf32> to vector<1x1x16xf32>
        tpu.vector_store %arg13[%swap3A_245, %swap3A_246, %swap3A_247], %swap3A_250 {add = true, strides = array<i32>} : memref<200x1x64xf32, #tpu.memory_space<vmem>>, vector<1x1x16xf32>,
        %mul3A_251 = arith.constant 64 : i32
        %mul3A_252 = arith.muli %scan3A_210, %mul3A_251 : i32
        %add3A_253 = arith.constant 48 : i32
        %add3A_254 = arith.addi %mul3A_252, %add3A_253 : i32
        %get3A_255 = arith.index_cast %add3A_254 : i32 to index
        %get3A_256 = tpu.vector_load %arg14[%get3A_255] {strides = array<i32>} : memref<12800xf32, #tpu.memory_space<vmem>>, vector<16xf32>,
        %get3A_257 = vector.shape_cast %get3A_256 : vector<16xf32> to vector<16xf32>
        %swap3A_258 = arith.constant 0 : i32
        %swap3A_259 = arith.index_cast %scan3A_210 : i32 to index
        %swap3A_260 = arith.index_cast %swap3A_258 : i32 to index
        %swap3A_261 = arith.constant 48 : index
        %swap3A_262 = tpu.vector_load %arg13[%swap3A_259, %swap3A_260, %swap3A_261] {strides = array<i32>} : memref<200x1x64xf32, #tpu.memory_space<vmem>>, vector<1x1x16xf32>,
        %swap3A_263 = vector.shape_cast %swap3A_262 : vector<1x1x16xf32> to vector<16xf32>
        %swap3A_264 = vector.shape_cast %get3A_257 : vector<16xf32> to vector<1x1x16xf32>
        tpu.vector_store %arg13[%swap3A_259, %swap3A_260, %swap3A_261], %swap3A_264 {add = true, strides = array<i32>} : memref<200x1x64xf32, #tpu.memory_space<vmem>>, vector<1x1x16xf32>,
        %scan3A_265 = arith.constant 1 : i32
        %scan3A_266 = arith.addi %scan3A_210, %scan3A_265 : i32
        %mul3A_267 = arith.constant 64 : i32
        %mul3A_268 = arith.muli %scan3A_266, %mul3A_267 : i32
        %add3A_269 = arith.constant 0 : i32
        %add3A_270 = arith.addi %mul3A_268, %add3A_269 : i32
        %get3A_271 = arith.index_cast %add3A_270 : i32 to index
        %get3A_272 = tpu.vector_load %arg14[%get3A_271] {strides = array<i32>} : memref<12800xf32, #tpu.memory_space<vmem>>, vector<16xf32>,
        %get3A_273 = vector.shape_cast %get3A_272 : vector<16xf32> to vector<16xf32>
        %swap3A_274 = arith.constant 0 : i32
        %swap3A_275 = arith.index_cast %scan3A_266 : i32 to index
        %swap3A_276 = arith.index_cast %swap3A_274 : i32 to index
        %swap3A_277 = arith.constant 0 : index
        %swap3A_278 = tpu.vector_load %arg13[%swap3A_275, %swap3A_276, %swap3A_277] {strides = array<i32>} : memref<200x1x64xf32, #tpu.memory_space<vmem>>, vector<1x1x16xf32>,
        %swap3A_279 = vector.shape_cast %swap3A_278 : vector<1x1x16xf32> to vector<16xf32>
        %swap3A_280 = vector.shape_cast %get3A_273 : vector<16xf32> to vector<1x1x16xf32>
        tpu.vector_store %arg13[%swap3A_275, %swap3A_276, %swap3A_277], %swap3A_280 {add = true, strides = array<i32>} : memref<200x1x64xf32, #tpu.memory_space<vmem>>, vector<1x1x16xf32>,
        %mul3A_281 = arith.constant 64 : i32
        %mul3A_282 = arith.muli %scan3A_266, %mul3A_281 : i32
        %add3A_283 = arith.constant 16 : i32
        %add3A_284 = arith.addi %mul3A_282, %add3A_283 : i32
        %get3A_285 = arith.index_cast %add3A_284 : i32 to index
        %get3A_286 = tpu.vector_load %arg14[%get3A_285] {strides = array<i32>} : memref<12800xf32, #tpu.memory_space<vmem>>, vector<16xf32>,
        %get3A_287 = vector.shape_cast %get3A_286 : vector<16xf32> to vector<16xf32>
        %swap3A_288 = arith.constant 0 : i32
        %swap3A_289 = arith.index_cast %scan3A_266 : i32 to index
        %swap3A_290 = arith.index_cast %swap3A_288 : i32 to index
        %swap3A_291 = arith.constant 16 : index
        %swap3A_292 = tpu.vector_load %arg13[%swap3A_289, %swap3A_290, %swap3A_291] {strides = array<i32>} : memref<200x1x64xf32, #tpu.memory_space<vmem>>, vector<1x1x16xf32>,
        %swap3A_293 = vector.shape_cast %swap3A_292 : vector<1x1x16xf32> to vector<16xf32>
        %swap3A_294 = vector.shape_cast %get3A_287 : vector<16xf32> to vector<1x1x16xf32>
        tpu.vector_store %arg13[%swap3A_289, %swap3A_290, %swap3A_291], %swap3A_294 {add = true, strides = array<i32>} : memref<200x1x64xf32, #tpu.memory_space<vmem>>, vector<1x1x16xf32>,
        %mul3A_295 = arith.constant 64 : i32
        %mul3A_296 = arith.muli %scan3A_266, %mul3A_295 : i32
        %add3A_297 = arith.constant 32 : i32
        %add3A_298 = arith.addi %mul3A_296, %add3A_297 : i32
        %get3A_299 = arith.index_cast %add3A_298 : i32 to index
        %get3A_300 = tpu.vector_load %arg14[%get3A_299] {strides = array<i32>} : memref<12800xf32, #tpu.memory_space<vmem>>, vector<16xf32>,
        %get3A_301 = vector.shape_cast %get3A_300 : vector<16xf32> to vector<16xf32>
        %swap3A_302 = arith.constant 0 : i32
        %swap3A_303 = arith.index_cast %scan3A_266 : i32 to index
        %swap3A_304 = arith.index_cast %swap3A_302 : i32 to index
        %swap3A_305 = arith.constant 32 : index
        %swap3A_306 = tpu.vector_load %arg13[%swap3A_303, %swap3A_304, %swap3A_305] {strides = array<i32>} : memref<200x1x64xf32, #tpu.memory_space<vmem>>, vector<1x1x16xf32>,
        %swap3A_307 = vector.shape_cast %swap3A_306 : vector<1x1x16xf32> to vector<16xf32>
        %swap3A_308 = vector.shape_cast %get3A_301 : vector<16xf32> to vector<1x1x16xf32>
        tpu.vector_store %arg13[%swap3A_303, %swap3A_304, %swap3A_305], %swap3A_308 {add = true, strides = array<i32>} : memref<200x1x64xf32, #tpu.memory_space<vmem>>, vector<1x1x16xf32>,
        %mul3A_309 = arith.constant 64 : i32
        %mul3A_310 = arith.muli %scan3A_266, %mul3A_309 : i32
        %add3A_311 = arith.constant 48 : i32
        %add3A_312 = arith.addi %mul3A_310, %add3A_311 : i32
        %get3A_313 = arith.index_cast %add3A_312 : i32 to index
        %get3A_314 = tpu.vector_load %arg14[%get3A_313] {strides = array<i32>} : memref<12800xf32, #tpu.memory_space<vmem>>, vector<16xf32>,
        %get3A_315 = vector.shape_cast %get3A_314 : vector<16xf32> to vector<16xf32>
        %swap3A_316 = arith.constant 0 : i32
        %swap3A_317 = arith.index_cast %scan3A_266 : i32 to index
        %swap3A_318 = arith.index_cast %swap3A_316 : i32 to index
        %swap3A_319 = arith.constant 48 : index
        %swap3A_320 = tpu.vector_load %arg13[%swap3A_317, %swap3A_318, %swap3A_319] {strides = array<i32>} : memref<200x1x64xf32, #tpu.memory_space<vmem>>, vector<1x1x16xf32>,
        %swap3A_321 = vector.shape_cast %swap3A_320 : vector<1x1x16xf32> to vector<16xf32>
        %swap3A_322 = vector.shape_cast %get3A_315 : vector<16xf32> to vector<1x1x16xf32>
        tpu.vector_store %arg13[%swap3A_317, %swap3A_318, %swap3A_319], %swap3A_322 {add = true, strides = array<i32>} : memref<200x1x64xf32, #tpu.memory_space<vmem>>, vector<1x1x16xf32>,
      }
      %scan3A_200 = arith.constant 200 : i32
      %mul3A_201 = arith.constant 200 : i32
      %mul3A_202 = arith.muli %add3A_176, %mul3A_201 : i32
      %add3A_203 = arith.addi %mul3A_2, %mul3A_202 : i32
      %dma_start3A_204 = arith.constant 0 : i32
      %dma_start3A_205 = arith.constant 0 : i32
      %dma_start3A_206 = tpu.memref_slice %arg5[%add3A_203, %dma_start3A_204, %dma_start3A_205] : memref<819200x1x64xf32, #tpu.memory_space<hbm>> -> memref<200x1x64xf32, #tpu.memory_space<hbm>>
      %dma_start3A_207 = arith.constant 0 : i32
      %dma_start3A_208 = arith.constant 0 : i32
      %dma_start3A_209 = tpu.memref_slice %arg5[%add3A_203, %dma_start3A_207, %dma_start3A_208] : memref<819200x1x64xf32, #tpu.memory_space<hbm>> -> memref<200x1x64xf32, #tpu.memory_space<hbm>>
      tpu.enqueue_dma source(%arg13 : memref<200x1x64xf32, #tpu.memory_space<vmem>>) target(%dma_start3A_209 : memref<200x1x64xf32, #tpu.memory_space<hbm>>) target_semaphore(%arg26 : memref<!tpu.dma_semaphore, #tpu.memory_space<semaphore_mem>>)
    }
    %scan3A_37 = arith.constant 32 : i32
    %add3A_38 = arith.constant 24800 : i32
    %add3A_39 = arith.addi %mul3A_2, %add3A_38 : i32
    %dma_wait3A_40 = arith.constant 0 : i32
    %dma_wait3A_41 = arith.constant 0 : i32
    %dma_wait3A_42 = tpu.memref_slice %arg5[%add3A_39, %dma_wait3A_40, %dma_wait3A_41] : memref<819200x1x64xf32, #tpu.memory_space<hbm>> -> memref<200x1x64xf32, #tpu.memory_space<hbm>>
    %dma_wait3A_43 = arith.constant 0 : i32
    %dma_wait3A_44 = arith.constant 0 : i32
    %dma_wait3A_45 = tpu.memref_slice %arg5[%add3A_39, %dma_wait3A_43, %dma_wait3A_44] : memref<819200x1x64xf32, #tpu.memory_space<hbm>> -> memref<200x1x64xf32, #tpu.memory_space<hbm>>
    tpu.wait_dma2 semaphore(%arg23 : memref<!tpu.dma_semaphore, #tpu.memory_space<semaphore_mem>>) src(%arg10 : memref<200x1x64xf32, #tpu.memory_space<vmem>>) dst(%dma_wait3A_45 : memref<200x1x64xf32, #tpu.memory_space<hbm>>)
    %add3A_46 = arith.constant 25000 : i32
    %add3A_47 = arith.addi %mul3A_2, %add3A_46 : i32
    %dma_wait3A_48 = arith.constant 0 : i32
    %dma_wait3A_49 = arith.constant 0 : i32
    %dma_wait3A_50 = tpu.memref_slice %arg5[%add3A_47, %dma_wait3A_48, %dma_wait3A_49] : memref<819200x1x64xf32, #tpu.memory_space<hbm>> -> memref<200x1x64xf32, #tpu.memory_space<hbm>>
    %dma_wait3A_51 = arith.constant 0 : i32
    %dma_wait3A_52 = arith.constant 0 : i32
    %dma_wait3A_53 = tpu.memref_slice %arg5[%add3A_47, %dma_wait3A_51, %dma_wait3A_52] : memref<819200x1x64xf32, #tpu.memory_space<hbm>> -> memref<200x1x64xf32, #tpu.memory_space<hbm>>
    tpu.wait_dma2 semaphore(%arg24 : memref<!tpu.dma_semaphore, #tpu.memory_space<semaphore_mem>>) src(%arg11 : memref<200x1x64xf32, #tpu.memory_space<vmem>>) dst(%dma_wait3A_53 : memref<200x1x64xf32, #tpu.memory_space<hbm>>)
    %add3A_54 = arith.constant 25200 : i32
    %add3A_55 = arith.addi %mul3A_2, %add3A_54 : i32
    %dma_wait3A_56 = arith.constant 0 : i32
    %dma_wait3A_57 = arith.constant 0 : i32
    %dma_wait3A_58 = tpu.memref_slice %arg5[%add3A_55, %dma_wait3A_56, %dma_wait3A_57] : memref<819200x1x64xf32, #tpu.memory_space<hbm>> -> memref<200x1x64xf32, #tpu.memory_space<hbm>>
    %dma_wait3A_59 = arith.constant 0 : i32
    %dma_wait3A_60 = arith.constant 0 : i32
    %dma_wait3A_61 = tpu.memref_slice %arg5[%add3A_55, %dma_wait3A_59, %dma_wait3A_60] : memref<819200x1x64xf32, #tpu.memory_space<hbm>> -> memref<200x1x64xf32, #tpu.memory_space<hbm>>
    tpu.wait_dma2 semaphore(%arg25 : memref<!tpu.dma_semaphore, #tpu.memory_space<semaphore_mem>>) src(%arg12 : memref<200x1x64xf32, #tpu.memory_space<vmem>>) dst(%dma_wait3A_61 : memref<200x1x64xf32, #tpu.memory_space<hbm>>)
    %add3A_62 = arith.constant 25400 : i32
    %add3A_63 = arith.addi %mul3A_2, %add3A_62 : i32
    %dma_wait3A_64 = arith.constant 0 : i32
    %dma_wait3A_65 = arith.constant 0 : i32
    %dma_wait3A_66 = tpu.memref_slice %arg5[%add3A_63, %dma_wait3A_64, %dma_wait3A_65] : memref<819200x1x64xf32, #tpu.memory_space<hbm>> -> memref<200x1x64xf32, #tpu.memory_space<hbm>>
    %dma_wait3A_67 = arith.constant 0 : i32
    %dma_wait3A_68 = arith.constant 0 : i32
    %dma_wait3A_69 = tpu.memref_slice %arg5[%add3A_63, %dma_wait3A_67, %dma_wait3A_68] : memref<819200x1x64xf32, #tpu.memory_space<hbm>> -> memref<200x1x64xf32, #tpu.memory_space<hbm>>
    tpu.wait_dma2 semaphore(%arg26 : memref<!tpu.dma_semaphore, #tpu.memory_space<semaphore_mem>>) src(%arg13 : memref<200x1x64xf32, #tpu.memory_space<vmem>>) dst(%dma_wait3A_69 : memref<200x1x64xf32, #tpu.memory_space<hbm>>)
    return
  }
}

</mosaic_0001>

<sc_bundles>
// kernel: kernel.3.cloned.1.call-start
scs
__scs_entry_jumppad:
0x0: {  	(pc) =	sbr.rel $0x88, $3  }
0x1: {  	(tag) =	ssettag $0x0;
	lr =	simm.s32 $0x1  }
0x2: {  	[smem:$0x3F9F] =	sst lr;
	_ =	strace $0xD0000000  }
0x3: {  	_ = 	snop  }
0x4: {  	_ = 	snop  }
0x5: {  	_ = 	snop  }
0x6: {  	_ = 	snop  }
0x7: {  	_ = 	snop  }
__scs_overlays_trampoline_lowered:
0x8: {  	[smem:$0x3FAE] =	sst s0  }
0x9: {  	[smem:$0x3FAF] =	sst s1  }
0xa: {  	[smem:$0x3FB0] =	sst s2  }
0xb: {  	[smem:$0x3FB1] =	sst s3  }
0xc: {  	[smem:$0x3FB2] =	sst s4  }
0xd: {  	[smem:$0x3FB3] =	sst s5  }
0xe: {  	[smem:$0x3FB4] =	sst s6  }
0xf: {  	[smem:$0x3FB5] =	sst s7  }
0x10: {  	[smem:$0x3FB6] =	sst s8  }
0x11: {  	[smem:$0x3FB7] =	sst s9;
	s0 =	simm.s32 @!p0 $0x0  }
0x12: {  	s1 =	sld [smem:$0x3F9D];
	s0 =	simm.s32 @p0 $0x1  }
0x13: {  	[smem:$0x3FB8] =	sst s0;
	s0 =	simm.s32 @!p1 $0x0  }
0x14: {  	s2 =	sld [smem:$0x3F9C];
	s0 =	simm.s32 @p1 $0x1  }
0x15: {  	[smem:$0x3FB9] =	sst s0;
	s0 =	simm.s32 @!p2 $0x0  }
0x16: {  	s3 =	sld [smem:$0x3FDB];
	s0 =	simm.s32 @p2 $0x1  }
0x17: {  	s4 =	simm.s32 $0x1BF5;
	[smem:$0x3FBB] =	sst s0  }
0x18: {  	s0 =	sld [smem:$0x3F9E];
	_ =	swait.ge [sflag:s4], $0x0  }
0x19: {  	s7 =	sld [smem:$0x3F9F]  }
0x1a: {  	s8 =	sadd.s32 $0xFFFFE003, lr  }
0x1b: {  	s9 =	sadd.s32 $0xFFFFFEF7, lr;
	s5 =	simm.s32 $0xFFFFFFFF;
	p2 =	slt.u32 s8, $0xFFFFF086  }
0x1c: {  	p1 =	slt.u32 s9, $0xF7A;
	s5 =	simm.s32 @!p2 $0x0  }
0x1d: {  	s5 =	simm.s32 @p1 $0x1;
	p0 =	seq.s32 s7, s2  }
0x1e: {  	s7 =	smul.u32 @!p0 $0xF7A, s2;
	p2 =	seq.s32 @!p0 s5, $0x0  }
0x1f: {  	s9 =	smul.u32 $0xF7A, s1;
	s8 =	simm.s32 @!p0 $0x1BF5;
	p2 =	por !p2, p0  }
0x20: {  	[sflag:s8] =	ssyncset.s32 @!p0 $0xFFFFF086;
	s6 =	sadd.s32 @!p0 s3, s7;
	s7 =	simm.s32 @!p0 $0x108  }
0x21: {  	s3 =	sadd.s32 s3, s9;
	s6 =	sadd.s32 @!p0 $0x88, s6;
	s7 =	simm.s32 @p2 $0x1082  }
0x22: {  	[simem:s7], [sflag:s8] =	dma.local @!p0 [hbm:s6], $0xF7A  }
0x23: {  	s9 =	sor.u32 $0xD0000000, s2;
	s6 =	simm.s32 $0x108;
	_ =	swait.ge @!p0 [sflag:s8], $0x0  }
0x24: {  	s3 =	sadd.s32 $0x88, s3;
	s6 =	simm.s32 @!p1 $0x1082;
	[sflag:s4] =	ssyncset.s32 $0xFFFFF086  }
0x25: {  	[simem:s6], [sflag:s4] =	dma.local [hbm:s3], $0xF7A  }
0x26: {  	[smem:$0x3F9F] =	sst s1;
	(tag) =	ssettag s2;
	_ =	strace s9  }
0x27: {  	s1 =	sld [smem:$0x3FAF]  }
0x28: {  	s2 =	sld [smem:$0x3FB0]  }
0x29: {  	s4 =	sld [smem:$0x3FB2]  }
0x2a: {  	p0 =	seq.s32 s5, $0x0;
	s5 =	sld [smem:$0x3FB3]  }
0x2b: {  	s6 =	sld [smem:$0x3FB4]  }
0x2c: {  	s7 =	sld [smem:$0x3FB5]  }
0x2d: {  	s3 =	simm.s32 $0x108;
	s8 =	sld [smem:$0x3FB6]  }
0x2e: {  	s3 =	simm.s32 @!p0 $0x1082;
	s9 =	sld [smem:$0x3FB7]  }
0x2f: {  	lr =	sadd.s32 s0, s3;
	s0 =	sld [smem:$0x3FAE]  }
0x30: {  	s3 =	sld [smem:$0x3FB1]  }
0x31: {  	[smem:$0x3FBA] =	sst s10  }
0x32: {  	s10 =	sld [smem:$0x3FB8];
	_ =	sdelay $0x3  }
0x33: {  	p0 =	seq.s32 s10, $0x1;
	s10 =	sld [smem:$0x3FBA];
	_ =	sdelay $0x3  }
0x34: {  	[smem:$0x3FBA] =	sst s10  }
0x35: {  	s10 =	sld [smem:$0x3FB9];
	_ =	sdelay $0x3  }
0x36: {  	p1 =	seq.s32 s10, $0x1;
	s10 =	sld [smem:$0x3FBA];
	_ =	sdelay $0x3  }
0x37: {  	[smem:$0x3FBA] =	sst s10  }
0x38: {  	s10 =	sld [smem:$0x3FBB]  }
0x39: {  	_ = 	snop;
	(pc) =	sbr.ind lr, $3  }
0x3a: {  	_ = 	snop  }
0x3b: {  	_ = 	snop  }
0x3c: {  	p2 =	seq.s32 s10, $0x1;
	s10 =	sld [smem:$0x3FBA]  }
0x3d: {  	_ =	shalt  }
0x3e: {  	_ =	shalt  }
0x3f: {  	_ =	shalt  }
0x40: {  	_ =	shalt  }
0x41: {  	_ =	shalt  }
0x42: {  	_ =	shalt  }
0x43: {  	_ =	shalt  }
0x44: {  	_ =	shalt  }
0x45: {  	_ =	shalt  }
0x46: {  	_ =	shalt  }
0x47: {  	_ =	shalt  }
0x48: {  	_ =	shalt  }
0x49: {  	_ =	shalt  }
0x4a: {  	_ =	shalt  }
0x4b: {  	_ =	shalt  }
0x4c: {  	_ =	shalt  }
0x4d: {  	_ =	shalt  }
0x4e: {  	_ =	shalt  }
0x4f: {  	_ =	shalt  }
0x50: {  	_ =	shalt  }
0x51: {  	_ =	shalt  }
0x52: {  	_ =	shalt  }
0x53: {  	_ =	shalt  }
0x54: {  	_ =	shalt  }
0x55: {  	_ =	shalt  }
0x56: {  	_ =	shalt  }
0x57: {  	_ =	shalt  }
0x58: {  	_ =	shalt  }
0x59: {  	_ =	shalt  }
0x5a: {  	_ =	shalt  }
0x5b: {  	_ =	shalt  }
0x5c: {  	_ =	shalt  }
0x5d: {  	_ =	shalt  }
0x5e: {  	_ =	shalt  }
0x5f: {  	_ =	shalt  }
0x60: {  	_ =	shalt  }
0x61: {  	_ =	shalt  }
0x62: {  	_ =	shalt  }
0x63: {  	_ =	shalt  }
0x64: {  	_ =	shalt  }
0x65: {  	_ =	shalt  }
0x66: {  	_ =	shalt  }
0x67: {  	_ =	shalt  }
0x68: {  	_ =	shalt  }
0x69: {  	_ =	shalt  }
0x6a: {  	_ =	shalt  }
0x6b: {  	_ =	shalt  }
0x6c: {  	_ =	shalt  }
0x6d: {  	_ =	shalt  }
0x6e: {  	_ =	shalt  }
0x6f: {  	_ =	shalt  }
0x70: {  	_ =	shalt  }
0x71: {  	_ =	shalt  }
0x72: {  	_ =	shalt  }
0x73: {  	_ =	shalt  }
0x74: {  	_ =	shalt  }
0x75: {  	_ =	shalt  }
0x76: {  	_ =	shalt  }
0x77: {  	_ =	shalt  }
0x78: {  	_ =	shalt  }
0x79: {  	_ =	shalt  }
0x7a: {  	_ =	shalt  }
0x7b: {  	_ =	shalt  }
0x7c: {  	_ =	shalt  }
0x7d: {  	_ =	shalt  }
0x7e: {  	_ =	shalt  }
0x7f: {  	_ =	shalt  }
0x80: {  	_ =	shalt  }
0x81: {  	_ =	shalt  }
0x82: {  	_ =	shalt  }
0x83: {  	_ =	shalt  }
0x84: {  	_ =	shalt  }
0x85: {  	_ =	shalt  }
0x86: {  	_ =	shalt  }
0x87: {  	_ =	shalt  }
.Lfunc_end0:
.L_simem_size_0:
called_computation.1_lowered:
.L_overlay_start_0:
0x88: {  	s2 =	sld [smem:$0x3FD9]  }
0x89: {  	s3 =	sld [smem:$0x3FFE];
	_ =	sdelay $0x1  }
0x8a: {  	s1 =	srdreg.scid  }
0x8b: {  	s0 =	sand.u32 $0x1, s1  }
0x8c: {  	s17 =	sshll.u32 s0, $0xA;
	s2 =	sadd.s32 s3, s2  }
0x8d: {  	s2 =	sadd.s32 s2, s17  }
0x8e: {  	[smem:$0x3FC6] =	sst s2  }
0x8f: {  	_ = 	snop  }
0x90: {  	s2 =	sld [smem:$0x3FD0];
	(tm) =	ssettm $0x1  }
0x91: {  	s18 =	sld [smem:$0x3FFB];
	_ =	sdelay $0x3  }
0x92: {  	_ =	strace s18  }
0x93: {  	s3 =	sld [smem:$0x3FFC];
	_ =	sdelay $0x3  }
0x94: {  	_ =	strace s3  }
0x95: {  	s3 =	sld [smem:$0x3FFD];
	_ =	sdelay $0x3  }
0x96: {  	_ =	strace s3  }
0x97: {  	_ =	strace $0x8FFFFFFF  }
0x98: {  	s19 =	sld [smem:$0x3FDB];
	_ =	sdelay $0x1  }
0x99: {  	s4 =	simm.s32 $_scs_section_size  }
0x9a: {  	s5 =	simm.s32 $_size__tile_overlayer_lowered;
	s6 =	simm.s32 $_tile_overlayer_lowered  }
0x9b: {  	s22 =	simm.s32 $0x1BFF;
	s21 =	sshll.u32 s6, $0x1;
	s3 =	sadd.s32 s4, s19  }
0x9c: {  	s7 =	simm.s32 $0x0;
	s20 =	sshll.u32 s5, $0x1;
	s5 =	sadd.s32 s21, s3  }
0x9d: {  	[timem:s7], [sflag:s22] =	dma.local [hbm:s5], s20  }
0x9e: {  	_ =	swait.ge [sflag:s22], s20  }
0x9f: {  	s4 =	ssub.s32 $0x0, s20;
	[sflag:s22] =	ssyncset.done $0x0  }
0xa0: {  	[sflag:s22] =	ssyncadd.s32 s4;
	_ =	sdelay $0x1  }
0xa1: {  	s23 =	simm.s32 $0x1B8B  }
0xa2: {  	_ =	swait.ge [sflag:s23], $0x1  }
0xa3: {  	[sflag:s23] =	ssyncset.done $0x0  }
0xa4: {  	s25 =	simm.s32 $0x1B8E;
	s24 =	sld [smem:$0x3FFE];
	[sflag:s23] =	ssyncadd.s32 $0xFFFFFFFF  }
0xa5: {  	s26 =	simm.s32 $execute0_lowered;
	[smem:$0x3FD2] =	sst s25  }
0xa6: {  	s5 =	sshll.u32 s26, $0x1;
	_ =	strace $0x80000046;
	[dreg:$0x1] =	wrdreg $0xFFFFFFFF  }
0xa7: {  	s28 =	simm.s32 $_size_execute0_lowered;
	s3 =	sadd.s32 s3, s5;
	[dreg:$0x0] =	wrdreg $0x0  }
0xa8: {  	s5 =	sshll.u32 s28, $0x1;
	[dreg:$0x2] =	wrdreg s3  }
0xa9: {  	[dreg:$0x3] =	wrdreg s5  }
0xaa: {  	[dreg:$0x4] =	wrdreg $0xC0  }
0xab: {  	_ =	task [dreg:s7], $0x5FFFF  }
0xac: {  	[dreg:$0x1] =	wrdreg $0xFFFFFFFF  }
0xad: {  	[dreg:$0x0] =	wrdreg $0x60  }
0xae: {  	[dreg:$0x2] =	wrdreg s2  }
0xaf: {  	[dreg:$0x3] =	wrdreg s24  }
0xb0: {  	[dreg:$0x4] =	wrdreg $0x9  }
0xb1: {  	_ =	task.clear_ibuf [dreg:s7], $0x5FFFF;
	_ =	strace $0x90000046  }
0xb2: {  	s29 =	simm.s32 $0x9;
	_ =	strace $0x80000048  }
0xb3: {  	_ =	swait.ge [sflag:s29], $0x1  }
0xb4: {  	[sflag:s29] =	ssyncadd.s32 $0xFFFFFFFF  }
0xb5: {  	_ =	strace $0x90000048  }
0xb6: {  	_ =	sfence  }
0xb7: {  	s30 =	sld [smem:$0x0];
	_ =	sdelay $0x2  }
0xb8: {  	s31 =	sshll.u32 s1, $0xD;
	s1 =	sshrl.u32 s1, $0x2  }
0xb9: {  	s3 =	sand.u32 $0x4000, s31;
	s1 =	sadd.s32 s1, s30  }
0xba: {  	s0 =	sor.u32 s3, s0;
	s1 =	sshll.u32 s1, $0x11  }
0xbb: {  	s0 =	sor.u32 s1, s0  }
0xbc: {  	s0 =	sadd.s32 $0x8F2B, s0  }
0xbd: {  	[sflag:s0] =	ssyncadd.remote.s32 $0x1  }
0xbe: {  	_ =	sfence.sel $0xFFFF  }
0xbf: {  	[dreg:$0x0] =	wrdreg $0xFFFFFFFF;
	(pc) =	sbr.abs _section_cstart, $3  }
0xc0: {  	[dreg:$0x1] =	wrdreg $0xFFFFFFFF  }
0xc1: {  	_ =	task.clear_ibuf [dreg:s7], $0x2FFFF;
	_ =	strace $0x9FFFFFFF  }
0xc2: {  	(tm) =	ssettm $0x7FFFFFFF  }
0xc3: {  	_ =	shalt  }
tec
execute0_lowered:
.L_overlay_start_1:
0x0: {  	(tag) =	ssettag $0x1  }
0x1: {  	s2 =	rddreg [dreg:$0x0]  }
0x2: {  	s0 =	srdreg.scid;
	s3 =	stileid.u32  }
0x3: {  	s1 =	rddreg [dreg:$0x1];
	s28 =	simm.s32 $0x400;
	s30 =	simm.s32 $0x6800  }
0x4: {  	s31 =	simm.s32 $0x3;
	s20 =	simm.s32 $0x4;
	s9 =	simm.s32 $0x6  }
0x5: {  	s8 =	simm.s32 $0x0;
	s0 =	sand.u32 $0x1, s0;
	s4 =	sshll.u32 s3, $0x1  }
0x6: {  	s3 =	simm.s32 $0x0;
	s5 =	sadd.s32 $0xA00, s1;
	s6 =	sadd.s32 $0xF42E00, s1  }
0x7: {  	s7 =	sadd.s32 $0xF43600, s1;
	s1 =	simm.s32 $0xCC00;
	s4 =	sor.u32 s0, s4  }
0x8: {  	[smem:$0x7FF] =	sst s3;
	s0 =	ssub.s32 $0x2, s0;
	s4 =	smul.u32 $0x6400, s4  }
0x9: {  	_ =	strace $0x80000047;
	[dreg:$0x3] =	wrdreg s6;
	s24 =	sshrl.u32 s0, $0x1  }
0xa: {  	s0 =	ssub.s32 s0, s24;
	s24 =	simm.s32 $0x300;
	s23 =	sshrl.u32 s4, $0x3  }
0xb: {  	s12 =	sor.u32 $0x320, s4;
	s13 =	sor.u32 $0x3E8, s4;
	s14 =	sor.u32 $0xC8, s4  }
0xc: {  	s15 =	sadd.s32 $0x4B0, s4;
	s16 =	sor.u32 $0x190, s4;
	s0 =	smax.u32 s0, $0x1  }
0xd: {  	s17 =	sadd.s32 $0x578, s4;
	s6 =	sadd.s32 s2, s23;
	[dreg:$0x8] =	wrdreg s0  }
0xe: {  	s18 =	sor.u32 $0x258, s4;
	s25 =	sadd.s32 $0x19, s6;
	[dreg:$0x4] =	wrdreg s6  }
0xf: {  	s23 =	simm.s32 $0x200;
	s26 =	sadd.s32 $0x32, s6;
	[dreg:$0x5] =	wrdreg s25  }
0x10: {  	s0 =	simm.s32 $0x5;
	s29 =	sadd.s32 $0x4B, s6;
	[dreg:$0x6] =	wrdreg s26  }
0x11: {  	s6 =	simm.s32 $0x13000;
	[dreg:$0x7] =	wrdreg s29;
	s26 =	simm.s32 $0xC8  }
.LBB2_1:
0x12: {  	s10 =	rddreg [dreg:$0x3];
	s11 =	simm.s32 $0x19400;
	s25 =	simm.s32 $0xD  }
0x13: {  	[tilespmem:s11], [sflag:$0xD] =	stream.linear.gather [hbm4b:s10+s3], $0x3200, $0x38;
	[tilespmem:$0x1C600] =	vst v63  }
0x14: {  	_ =	swait.ge [sflag:s25], $0x3200  }
0x15: {  	[sflag:s25] =	ssyncset.done $0x0  }
0x16: {  	s29 =	rddreg [dreg:$0x4];
	[sflag:s25] =	ssyncadd.s32 $0xFFFFCE00  }
0x17: {  	[tilespmem:s3], [sflag:$0x1] =	stream.linear.gather [hbm4b:s29+s3], $0xC8, $0x38;
	[tilespmem:$0x1C600] =	vst v63  }
0x18: {  	s19 =	simm.s32 $0x100;
	s11 =	rddreg [dreg:$0x5]  }
0x19: {  	[tilespmem:s19], [sflag:$0x2] =	stream.linear.gather [hbm4b:s11+s3], $0xC8, $0x38;
	[tilespmem:$0x1C600] =	vst v63  }
0x1a: {  	s21 =	rddreg [dreg:$0x6]  }
0x1b: {  	[tilespmem:s23], [sflag:$0x3] =	stream.linear.gather [hbm4b:s21+s3], $0xC8, $0x38;
	[tilespmem:$0x1C600] =	vst v63  }
0x1c: {  	s22 =	rddreg [dreg:$0x7];
	s25 =	simm.s32 $0x1  }
0x1d: {  	[tilespmem:s24], [sflag:$0x4] =	stream.linear.gather [hbm4b:s22+s3], $0xC8, $0x38;
	[tilespmem:$0x1C600] =	vst v63  }
0x1e: {  	_ =	swait.ge [sflag:s25], $0xC8  }
0x1f: {  	[sflag:s25] =	ssyncset.done $0x0  }
0x20: {  	s29 =	simm.s32 $0x2;
	[sflag:s25] =	ssyncadd.s32 $0xFFFFFF38  }
0x21: {  	[tilespmem:s28], [sflag:$0x5] =	stream.indirect.gather [hbm4b:s5+s26], $0x40, s3, s26, $0xb8;
	[tilespmem:$0x1C600] =	vst v63  }
0x22: {  	_ =	swait.ge [sflag:s29], $0xC8  }
0x23: {  	[sflag:s29] =	ssyncset.done $0x0  }
0x24: {  	s21 =	simm.s32 $0x0;
	[sflag:s29] =	ssyncadd.s32 $0xFFFFFF38  }
0x25: {  	[tilespmem:s30], [sflag:$0x6] =	stream.indirect.gather [hbm4b:s5+s26], $0x40, s19, s26, $0xb8;
	[tilespmem:$0x1C600] =	vst v63  }
.LBB2_2:
0x26: {  	_ =	swait.ge [sflag:s31], $0xC8  }
0x27: {  	p1 =	seq.s32 s21, $0x0;
	[sflag:s31] =	ssyncset.done $0x0  }
0x28: {  	s10 =	simm.s32 @!p1 $0xB;
	[sflag:s31] =	ssyncadd.s32 $0xFFFFFF38  }
0x29: {  	_ =	swait.ge @!p1 [sflag:s10], $0x6400  }
0x2a: {  	p0 =	seq.s32 s21, $0x1F;
	[sflag:s10] =	ssyncset.done @!p1 $0x0  }
0x2b: {  	[sflag:s10] =	ssyncadd.s32 @!p1 $0xFFFF9C00;
	s10 =	smul.u32 @!p0 $0x320, s21  }
0x2c: {  	[tilespmem:s1], [sflag:$0x7] =	stream.indirect.gather [hbm4b:s5+s26], $0x40, s23, s26, $0xb8;
	[tilespmem:$0x1C600] =	vst v63  }
0x2d: {  	_ =	swait.ge [sflag:s0], $0x3200;
	s10 =	sadd.s32 @!p0 s10, s12  }
0x2e: {  	s22 =	simm.s32 $0x19420;
	[sflag:s0] =	ssyncset.done $0x0;
	s10 =	sshrl.u32 @!p0 s10, $0x3  }
0x2f: {  	s11 =	simm.s32 @!p0 $0x0;
	[sflag:s0] =	ssyncadd.s32 $0xFFFFCE00;
	s10 =	sadd.s32 @!p0 s2, s10  }
0x30: {  	[tilespmem:s11], [sflag:$0x1] =	stream.linear.gather @!p0 [hbm4b:s10+s11], $0xC8, $0x38;
	[tilespmem:$0x1C600] =	vst v63  }
0x31: {  	v0 =	vld [tilespmem:s22+$0xFFFFFFE0];
	_ =	sdelay $0x3  }
0x32: {  	s25 =	simm.s32 $0x480  }
0x33: {  	[tilespmem:s25+$0xFFFFFF80] =	vst.add.f32.msk $0xffff, v0  }
0x34: {  	v0 =	vld [tilespmem:s22+$0xFFFFFFF0];
	_ =	sdelay $0x4  }
0x35: {  	[tilespmem:s25+$0xFFFFFF90] =	vst.add.f32.msk $0xffff, v0  }
0x36: {  	v0 =	vld [tilespmem:s22+$0x0];
	_ =	sdelay $0x4  }
0x37: {  	[tilespmem:s25+$0xFFFFFFA0] =	vst.add.f32.msk $0xffff, v0  }
0x38: {  	v0 =	vld [tilespmem:s22+$0x10];
	_ =	sdelay $0x4  }
0x39: {  	[tilespmem:s25+$0xFFFFFFB0] =	vst.add.f32.msk $0xffff, v0  }
0x3a: {  	v0 =	vld [tilespmem:s22+$0x20];
	_ =	sdelay $0x3  }
0x3b: {  	s29 =	simm.s32 $0x40  }
0x3c: {  	s11 =	sor.u32 $0x50, s29;
	[tilespmem:s25+$0x0] =	vst.add.f32.msk $0xffff, v0  }
0x3d: {  	v0 =	vld [tilespmem:s11+$0x19400];
	_ =	sdelay $0x4  }
0x3e: {  	s19 =	sor.u32 $0x60, s29;
	[tilespmem:s25+$0x10] =	vst.add.f32.msk $0xffff, v0  }
0x3f: {  	v0 =	vld [tilespmem:s19+$0x19400];
	_ =	sdelay $0x4  }
0x40: {  	s22 =	sor.u32 $0x70, s29;
	[tilespmem:s25+$0x20] =	vst.add.f32.msk $0xffff, v0  }
0x41: {  	v0 =	vld [tilespmem:s22+$0x19400];
	_ =	sdelay $0x4  }
0x42: {  	s10 =	simm.s32 $0x0;
	s11 =	simm.s32 $0x194A0;
	[tilespmem:s25+$0x30] =	vst.add.f32.msk $0xffff, v0  }
.LBB2_3:
0x43: {  	v0 =	vld [tilespmem:s11+$0xFFFFFFE0];
	s10 =	sadd.s32 $0x2, s10  }
0x44: {  	p2 =	slt.u32 s10, $0xC6;
	_ =	sdelay $0x2  }
0x45: {  	s25 =	sadd.s32 $0x100, s25  }
0x46: {  	[tilespmem:s25+$0xFFFFFF80] =	vst.add.f32.msk $0xffff, v0  }
0x47: {  	v0 =	vld [tilespmem:s11+$0xFFFFFFF0];
	_ =	sdelay $0x4  }
0x48: {  	[tilespmem:s25+$0xFFFFFF90] =	vst.add.f32.msk $0xffff, v0  }
0x49: {  	v0 =	vld [tilespmem:s11+$0x0];
	_ =	sdelay $0x4  }
0x4a: {  	[tilespmem:s25+$0xFFFFFFA0] =	vst.add.f32.msk $0xffff, v0  }
0x4b: {  	v0 =	vld [tilespmem:s11+$0x10];
	_ =	sdelay $0x4  }
0x4c: {  	[tilespmem:s25+$0xFFFFFFB0] =	vst.add.f32.msk $0xffff, v0  }
0x4d: {  	v0 =	vld [tilespmem:s11+$0x20];
	_ =	sdelay $0x3  }
0x4e: {  	s29 =	sadd.s32 $0x80, s29  }
0x4f: {  	s22 =	sor.u32 $0x50, s29;
	[tilespmem:s25+$0x0] =	vst.add.f32.msk $0xffff, v0  }
0x50: {  	v0 =	vld [tilespmem:s22+$0x19400];
	_ =	sdelay $0x4  }
0x51: {  	s22 =	sor.u32 $0x60, s29;
	[tilespmem:s25+$0x10] =	vst.add.f32.msk $0xffff, v0  }
0x52: {  	v0 =	vld [tilespmem:s22+$0x19400];
	_ =	sdelay $0x4  }
0x53: {  	s22 =	sor.u32 $0x70, s29;
	[tilespmem:s25+$0x20] =	vst.add.f32.msk $0xffff, v0  }
0x54: {  	v0 =	vld [tilespmem:s22+$0x19400]  }
.Ltmp0:
0x55: {  	(pc) =	sbr.rel @p2 .LBB2_3-.Ltmp0, $2  }
0x56: {  	_ =	sdelay $0x2  }
0x57: {  	s11 =	sadd.s32 $0x80, s11;
	[tilespmem:s25+$0x30] =	vst.add.f32.msk $0xffff, v0  }
0x58: {  	s25 =	smul.u32 $0x320, s21;
	_ =	sdelay $0x1  }
0x59: {  	s10 =	sadd.s32 s4, s25  }
0x5a: {  	s10 =	sshll.u32 s10, $0x4  }
0x5b: {  	s10 =	sadd.s32 s7, s10  }
0x5c: {  	[hbm4b:s10+s3] =	stream.linear.scatter [tilespmem:s28], [sflag:$0x9], $0x6400, $0x38;
	[tilespmem:$0x1C600] =	vst v63  }
0x5d: {  	_ =	swait.ge [sflag:s20], $0xC8  }
0x5e: {  	[sflag:s20] =	ssyncset.done $0x0  }
0x5f: {  	s10 =	simm.s32 @!p1 $0xC;
	[sflag:s20] =	ssyncadd.s32 $0xFFFFFF38  }
0x60: {  	_ =	swait.ge @!p1 [sflag:s10], $0x6400  }
0x61: {  	[sflag:s10] =	ssyncset.done @!p1 $0x0  }
0x62: {  	[sflag:s10] =	ssyncadd.s32 @!p1 $0xFFFF9C00  }
0x63: {  	[tilespmem:s6], [sflag:$0x8] =	stream.indirect.gather [hbm4b:s5+s26], $0x40, s24, s26, $0xb8;
	[tilespmem:$0x1C600] =	vst v63  }
0x64: {  	s11 =	simm.s32 @!p0 $0x0;
	s10 =	sadd.s32 @!p0 s25, s13;
	_ =	swait.ge [sflag:s9], $0x3200  }
0x65: {  	s22 =	simm.s32 @!p0 $0x100;
	s10 =	sshrl.u32 @!p0 s10, $0x3;
	[sflag:s9] =	ssyncset.done $0x0  }
0x66: {  	s19 =	simm.s32 $0x19420;
	s10 =	sadd.s32 @!p0 s2, s10;
	[sflag:s9] =	ssyncadd.s32 $0xFFFFCE00  }
0x67: {  	[tilespmem:s22], [sflag:$0x2] =	stream.linear.gather @!p0 [hbm4b:s10+s11], $0xC8, $0x38;
	[tilespmem:$0x1C600] =	vst v63  }
0x68: {  	v0 =	vld [tilespmem:s19+$0xFFFFFFE0];
	_ =	sdelay $0x3  }
0x69: {  	s29 =	simm.s32 $0x6880  }
0x6a: {  	[tilespmem:s29+$0xFFFFFF80] =	vst.add.f32.msk $0xffff, v0  }
0x6b: {  	v0 =	vld [tilespmem:s19+$0xFFFFFFF0];
	_ =	sdelay $0x4  }
0x6c: {  	[tilespmem:s29+$0xFFFFFF90] =	vst.add.f32.msk $0xffff, v0  }
0x6d: {  	v0 =	vld [tilespmem:s19+$0x0];
	_ =	sdelay $0x4  }
0x6e: {  	[tilespmem:s29+$0xFFFFFFA0] =	vst.add.f32.msk $0xffff, v0  }
0x6f: {  	v0 =	vld [tilespmem:s19+$0x10];
	_ =	sdelay $0x4  }
0x70: {  	[tilespmem:s29+$0xFFFFFFB0] =	vst.add.f32.msk $0xffff, v0  }
0x71: {  	v0 =	vld [tilespmem:s19+$0x20];
	_ =	sdelay $0x3  }
0x72: {  	s10 =	simm.s32 $0x40  }
0x73: {  	s22 =	sor.u32 $0x50, s10;
	[tilespmem:s29+$0x0] =	vst.add.f32.msk $0xffff, v0  }
0x74: {  	v0 =	vld [tilespmem:s22+$0x19400];
	_ =	sdelay $0x4  }
0x75: {  	s19 =	sor.u32 $0x60, s10;
	[tilespmem:s29+$0x10] =	vst.add.f32.msk $0xffff, v0  }
0x76: {  	v0 =	vld [tilespmem:s19+$0x19400];
	_ =	sdelay $0x4  }
0x77: {  	s22 =	sor.u32 $0x70, s10;
	[tilespmem:s29+$0x20] =	vst.add.f32.msk $0xffff, v0  }
0x78: {  	v0 =	vld [tilespmem:s22+$0x19400];
	_ =	sdelay $0x4  }
0x79: {  	s11 =	simm.s32 $0x0;
	s22 =	simm.s32 $0x194A0;
	[tilespmem:s29+$0x30] =	vst.add.f32.msk $0xffff, v0  }
.LBB2_5:
0x7a: {  	v0 =	vld [tilespmem:s22+$0xFFFFFFE0];
	s11 =	sadd.s32 $0x2, s11  }
0x7b: {  	p0 =	slt.u32 s11, $0xC6;
	_ =	sdelay $0x2  }
0x7c: {  	s29 =	sadd.s32 $0x100, s29  }
0x7d: {  	[tilespmem:s29+$0xFFFFFF80] =	vst.add.f32.msk $0xffff, v0  }
0x7e: {  	v0 =	vld [tilespmem:s22+$0xFFFFFFF0];
	_ =	sdelay $0x4  }
0x7f: {  	[tilespmem:s29+$0xFFFFFF90] =	vst.add.f32.msk $0xffff, v0  }
0x80: {  	v0 =	vld [tilespmem:s22+$0x0];
	_ =	sdelay $0x4  }
0x81: {  	[tilespmem:s29+$0xFFFFFFA0] =	vst.add.f32.msk $0xffff, v0  }
0x82: {  	v0 =	vld [tilespmem:s22+$0x10];
	_ =	sdelay $0x4  }
0x83: {  	[tilespmem:s29+$0xFFFFFFB0] =	vst.add.f32.msk $0xffff, v0  }
0x84: {  	v0 =	vld [tilespmem:s22+$0x20];
	_ =	sdelay $0x3  }
0x85: {  	s10 =	sadd.s32 $0x80, s10  }
0x86: {  	s19 =	sor.u32 $0x50, s10;
	[tilespmem:s29+$0x0] =	vst.add.f32.msk $0xffff, v0  }
0x87: {  	v0 =	vld [tilespmem:s19+$0x19400];
	_ =	sdelay $0x4  }
0x88: {  	s19 =	sor.u32 $0x60, s10;
	[tilespmem:s29+$0x10] =	vst.add.f32.msk $0xffff, v0  }
0x89: {  	v0 =	vld [tilespmem:s19+$0x19400];
	_ =	sdelay $0x4  }
0x8a: {  	s19 =	sor.u32 $0x70, s10;
	[tilespmem:s29+$0x20] =	vst.add.f32.msk $0xffff, v0  }
0x8b: {  	v0 =	vld [tilespmem:s19+$0x19400]  }
.Ltmp1:
0x8c: {  	(pc) =	sbr.rel @p0 .LBB2_5-.Ltmp1, $2  }
0x8d: {  	_ =	sdelay $0x2  }
0x8e: {  	s22 =	sadd.s32 $0x80, s22;
	[tilespmem:s29+$0x30] =	vst.add.f32.msk $0xffff, v0  }
0x8f: {  	s10 =	sadd.s32 s25, s14  }
0x90: {  	s10 =	sshll.u32 s10, $0x4  }
0x91: {  	s10 =	sand.u32 $0x1FFFFE80, s10  }
0x92: {  	p0 =	sne.s32 s21, $0x1F;
	s10 =	sadd.s32 s7, s10  }
0x93: {  	[hbm4b:s10+s3] =	stream.linear.scatter [tilespmem:s30], [sflag:$0xA], $0x6400, $0x38;
	[tilespmem:$0x1C600] =	vst v63  }
0x94: {  	s10 =	simm.s32 @p0 $0x1  }
0x95: {  	_ =	swait.ge @p0 [sflag:s10], $0xC8  }
0x96: {  	[sflag:s10] =	ssyncset.done @p0 $0x0  }
0x97: {  	[sflag:s10] =	ssyncadd.s32 @p0 $0xFFFFFF38;
	s10 =	simm.s32 @p0 $0x9  }
0x98: {  	_ =	swait.ge @p0 [sflag:s10], $0x6400  }
0x99: {  	s11 =	simm.s32 @p0 $0x0;
	[sflag:s10] =	ssyncset.done @p0 $0x0  }
0x9a: {  	s19 =	simm.s32 @p0 $0x400;
	[sflag:s10] =	ssyncadd.s32 @p0 $0xFFFF9C00;
	s10 =	simm.s32 @p0 $0xC8  }
0x9b: {  	[tilespmem:s19], [sflag:$0x5] =	stream.indirect.gather @p0 [hbm4b:s5+s10], $0x40, s11, s10, $0xb8;
	[tilespmem:$0x1C600] =	vst v63  }
0x9c: {  	s10 =	simm.s32 @p0 $0x7  }
0x9d: {  	s19 =	sadd.s32 @p0 s25, s15;
	_ =	swait.ge @p0 [sflag:s10], $0x3200  }
0x9e: {  	s19 =	sshrl.u32 @p0 s19, $0x3;
	[sflag:s10] =	ssyncset.done @p0 $0x0  }
0x9f: {  	[sflag:s10] =	ssyncadd.s32 @p0 $0xFFFFCE00;
	s10 =	sadd.s32 @p0 s2, s19;
	s19 =	simm.s32 @p0 $0x200  }
0xa0: {  	[tilespmem:s19], [sflag:$0x3] =	stream.linear.gather @p0 [hbm4b:s10+s11], $0xC8, $0x38;
	[tilespmem:$0x1C600] =	vst v63  }
0xa1: {  	s10 =	simm.s32 @!p0 $0x7  }
0xa2: {  	_ =	swait.ge @!p0 [sflag:s10], $0x3200  }
0xa3: {  	[sflag:s10] =	ssyncset.done @!p0 $0x0  }
0xa4: {  	s19 =	simm.s32 $0x19420;
	[sflag:s10] =	ssyncadd.s32 @!p0 $0xFFFFCE00  }
0xa5: {  	v0 =	vld [tilespmem:s19+$0xFFFFFFE0];
	_ =	sdelay $0x3  }
0xa6: {  	s29 =	simm.s32 $0xCC80  }
0xa7: {  	[tilespmem:s29+$0xFFFFFF80] =	vst.add.f32.msk $0xffff, v0  }
0xa8: {  	v0 =	vld [tilespmem:s19+$0xFFFFFFF0];
	_ =	sdelay $0x4  }
0xa9: {  	[tilespmem:s29+$0xFFFFFF90] =	vst.add.f32.msk $0xffff, v0  }
0xaa: {  	v0 =	vld [tilespmem:s19+$0x0];
	_ =	sdelay $0x4  }
0xab: {  	[tilespmem:s29+$0xFFFFFFA0] =	vst.add.f32.msk $0xffff, v0  }
0xac: {  	v0 =	vld [tilespmem:s19+$0x10];
	_ =	sdelay $0x4  }
0xad: {  	[tilespmem:s29+$0xFFFFFFB0] =	vst.add.f32.msk $0xffff, v0  }
0xae: {  	v0 =	vld [tilespmem:s19+$0x20];
	_ =	sdelay $0x3  }
0xaf: {  	s10 =	simm.s32 $0x40  }
0xb0: {  	s22 =	sor.u32 $0x50, s10;
	[tilespmem:s29+$0x0] =	vst.add.f32.msk $0xffff, v0  }
0xb1: {  	v0 =	vld [tilespmem:s22+$0x19400];
	_ =	sdelay $0x4  }
0xb2: {  	s19 =	sor.u32 $0x60, s10;
	[tilespmem:s29+$0x10] =	vst.add.f32.msk $0xffff, v0  }
0xb3: {  	v0 =	vld [tilespmem:s19+$0x19400];
	_ =	sdelay $0x4  }
0xb4: {  	s22 =	sor.u32 $0x70, s10;
	[tilespmem:s29+$0x20] =	vst.add.f32.msk $0xffff, v0  }
0xb5: {  	v0 =	vld [tilespmem:s22+$0x19400];
	_ =	sdelay $0x4  }
0xb6: {  	s11 =	simm.s32 $0x0;
	s22 =	simm.s32 $0x194A0;
	[tilespmem:s29+$0x30] =	vst.add.f32.msk $0xffff, v0  }
.LBB2_7:
0xb7: {  	v0 =	vld [tilespmem:s22+$0xFFFFFFE0];
	s11 =	sadd.s32 $0x2, s11  }
0xb8: {  	p1 =	slt.u32 s11, $0xC6;
	_ =	sdelay $0x2  }
0xb9: {  	s29 =	sadd.s32 $0x100, s29  }
0xba: {  	[tilespmem:s29+$0xFFFFFF80] =	vst.add.f32.msk $0xffff, v0  }
0xbb: {  	v0 =	vld [tilespmem:s22+$0xFFFFFFF0];
	_ =	sdelay $0x4  }
0xbc: {  	[tilespmem:s29+$0xFFFFFF90] =	vst.add.f32.msk $0xffff, v0  }
0xbd: {  	v0 =	vld [tilespmem:s22+$0x0];
	_ =	sdelay $0x4  }
0xbe: {  	[tilespmem:s29+$0xFFFFFFA0] =	vst.add.f32.msk $0xffff, v0  }
0xbf: {  	v0 =	vld [tilespmem:s22+$0x10];
	_ =	sdelay $0x4  }
0xc0: {  	[tilespmem:s29+$0xFFFFFFB0] =	vst.add.f32.msk $0xffff, v0  }
0xc1: {  	v0 =	vld [tilespmem:s22+$0x20];
	_ =	sdelay $0x3  }
0xc2: {  	s10 =	sadd.s32 $0x80, s10  }
0xc3: {  	s19 =	sor.u32 $0x50, s10;
	[tilespmem:s29+$0x0] =	vst.add.f32.msk $0xffff, v0  }
0xc4: {  	v0 =	vld [tilespmem:s19+$0x19400];
	_ =	sdelay $0x4  }
0xc5: {  	s19 =	sor.u32 $0x60, s10;
	[tilespmem:s29+$0x10] =	vst.add.f32.msk $0xffff, v0  }
0xc6: {  	v0 =	vld [tilespmem:s19+$0x19400];
	_ =	sdelay $0x4  }
0xc7: {  	s19 =	sor.u32 $0x70, s10;
	[tilespmem:s29+$0x20] =	vst.add.f32.msk $0xffff, v0  }
0xc8: {  	v0 =	vld [tilespmem:s19+$0x19400]  }
.Ltmp2:
0xc9: {  	(pc) =	sbr.rel @p1 .LBB2_7-.Ltmp2, $2  }
0xca: {  	_ =	sdelay $0x2  }
0xcb: {  	s22 =	sadd.s32 $0x80, s22;
	[tilespmem:s29+$0x30] =	vst.add.f32.msk $0xffff, v0  }
0xcc: {  	s10 =	sadd.s32 s25, s16  }
0xcd: {  	s10 =	sshll.u32 s10, $0x4  }
0xce: {  	s10 =	sand.u32 $0x1FFFFF00, s10  }
0xcf: {  	s10 =	sadd.s32 s7, s10  }
0xd0: {  	[hbm4b:s10+s3] =	stream.linear.scatter [tilespmem:s1], [sflag:$0xB], $0x6400, $0x38;
	[tilespmem:$0x1C600] =	vst v63  }
0xd1: {  	s10 =	simm.s32 @p0 $0x2  }
0xd2: {  	_ =	swait.ge @p0 [sflag:s10], $0xC8  }
0xd3: {  	[sflag:s10] =	ssyncset.done @p0 $0x0  }
0xd4: {  	[sflag:s10] =	ssyncadd.s32 @p0 $0xFFFFFF38;
	s10 =	simm.s32 @p0 $0xA  }
0xd5: {  	_ =	swait.ge @p0 [sflag:s10], $0x6400  }
0xd6: {  	s11 =	simm.s32 @p0 $0x100;
	[sflag:s10] =	ssyncset.done @p0 $0x0  }
0xd7: {  	s19 =	simm.s32 @p0 $0x6800;
	[sflag:s10] =	ssyncadd.s32 @p0 $0xFFFF9C00;
	s10 =	simm.s32 @p0 $0xC8  }
0xd8: {  	[tilespmem:s19], [sflag:$0x6] =	stream.indirect.gather @p0 [hbm4b:s5+s10], $0x40, s11, s10, $0xb8;
	[tilespmem:$0x1C600] =	vst v63  }
0xd9: {  	s10 =	simm.s32 @p0 $0x8  }
0xda: {  	_ =	swait.ge @p0 [sflag:s10], $0x3200  }
0xdb: {  	s11 =	sadd.s32 @p0 s25, s17;
	[sflag:s10] =	ssyncset.done @p0 $0x0  }
0xdc: {  	[sflag:s10] =	ssyncadd.s32 @p0 $0xFFFFCE00;
	s10 =	sshrl.u32 @p0 s11, $0x3  }
0xdd: {  	s19 =	simm.s32 @p0 $0x300;
	s11 =	simm.s32 @p0 $0x0;
	s10 =	sadd.s32 @p0 s2, s10  }
0xde: {  	[tilespmem:s19], [sflag:$0x4] =	stream.linear.gather @p0 [hbm4b:s10+s11], $0xC8, $0x38;
	[tilespmem:$0x1C600] =	vst v63  }
0xdf: {  	s10 =	simm.s32 @!p0 $0x8  }
0xe0: {  	_ =	swait.ge @!p0 [sflag:s10], $0x3200  }
0xe1: {  	[sflag:s10] =	ssyncset.done @!p0 $0x0  }
0xe2: {  	s19 =	simm.s32 $0x19420;
	[sflag:s10] =	ssyncadd.s32 @!p0 $0xFFFFCE00  }
0xe3: {  	v0 =	vld [tilespmem:s19+$0xFFFFFFE0];
	_ =	sdelay $0x3  }
0xe4: {  	s29 =	simm.s32 $0x13080  }
0xe5: {  	[tilespmem:s29+$0xFFFFFF80] =	vst.add.f32.msk $0xffff, v0  }
0xe6: {  	v0 =	vld [tilespmem:s19+$0xFFFFFFF0];
	_ =	sdelay $0x4  }
0xe7: {  	[tilespmem:s29+$0xFFFFFF90] =	vst.add.f32.msk $0xffff, v0  }
0xe8: {  	v0 =	vld [tilespmem:s19+$0x0];
	_ =	sdelay $0x4  }
0xe9: {  	[tilespmem:s29+$0xFFFFFFA0] =	vst.add.f32.msk $0xffff, v0  }
0xea: {  	v0 =	vld [tilespmem:s19+$0x10];
	_ =	sdelay $0x4  }
0xeb: {  	[tilespmem:s29+$0xFFFFFFB0] =	vst.add.f32.msk $0xffff, v0  }
0xec: {  	v0 =	vld [tilespmem:s19+$0x20];
	_ =	sdelay $0x3  }
0xed: {  	s10 =	simm.s32 $0x40  }
0xee: {  	s22 =	sor.u32 $0x50, s10;
	[tilespmem:s29+$0x0] =	vst.add.f32.msk $0xffff, v0  }
0xef: {  	v0 =	vld [tilespmem:s22+$0x19400];
	_ =	sdelay $0x4  }
0xf0: {  	s19 =	sor.u32 $0x60, s10;
	[tilespmem:s29+$0x10] =	vst.add.f32.msk $0xffff, v0  }
0xf1: {  	v0 =	vld [tilespmem:s19+$0x19400];
	_ =	sdelay $0x4  }
0xf2: {  	s22 =	sor.u32 $0x70, s10;
	[tilespmem:s29+$0x20] =	vst.add.f32.msk $0xffff, v0  }
0xf3: {  	v0 =	vld [tilespmem:s22+$0x19400];
	_ =	sdelay $0x4  }
0xf4: {  	s11 =	simm.s32 $0x0;
	s22 =	simm.s32 $0x194A0;
	[tilespmem:s29+$0x30] =	vst.add.f32.msk $0xffff, v0  }
.LBB2_9:
0xf5: {  	v0 =	vld [tilespmem:s22+$0xFFFFFFE0];
	s11 =	sadd.s32 $0x2, s11  }
0xf6: {  	p0 =	slt.u32 s11, $0xC6;
	_ =	sdelay $0x2  }
0xf7: {  	s29 =	sadd.s32 $0x100, s29  }
0xf8: {  	[tilespmem:s29+$0xFFFFFF80] =	vst.add.f32.msk $0xffff, v0  }
0xf9: {  	v0 =	vld [tilespmem:s22+$0xFFFFFFF0];
	_ =	sdelay $0x4  }
0xfa: {  	[tilespmem:s29+$0xFFFFFF90] =	vst.add.f32.msk $0xffff, v0  }
0xfb: {  	v0 =	vld [tilespmem:s22+$0x0];
	_ =	sdelay $0x4  }
0xfc: {  	[tilespmem:s29+$0xFFFFFFA0] =	vst.add.f32.msk $0xffff, v0  }
0xfd: {  	v0 =	vld [tilespmem:s22+$0x10];
	_ =	sdelay $0x4  }
0xfe: {  	[tilespmem:s29+$0xFFFFFFB0] =	vst.add.f32.msk $0xffff, v0  }
0xff: {  	v0 =	vld [tilespmem:s22+$0x20];
	_ =	sdelay $0x3  }
0x100: {  	s10 =	sadd.s32 $0x80, s10  }
0x101: {  	s19 =	sor.u32 $0x50, s10;
	[tilespmem:s29+$0x0] =	vst.add.f32.msk $0xffff, v0  }
0x102: {  	v0 =	vld [tilespmem:s19+$0x19400];
	_ =	sdelay $0x4  }
0x103: {  	s19 =	sor.u32 $0x60, s10;
	[tilespmem:s29+$0x10] =	vst.add.f32.msk $0xffff, v0  }
0x104: {  	v0 =	vld [tilespmem:s19+$0x19400];
	_ =	sdelay $0x4  }
0x105: {  	s19 =	sor.u32 $0x70, s10;
	[tilespmem:s29+$0x20] =	vst.add.f32.msk $0xffff, v0  }
0x106: {  	v0 =	vld [tilespmem:s19+$0x19400]  }
.Ltmp3:
0x107: {  	(pc) =	sbr.rel @p0 .LBB2_9-.Ltmp3, $2  }
0x108: {  	_ =	sdelay $0x2  }
0x109: {  	s22 =	sadd.s32 $0x80, s22;
	[tilespmem:s29+$0x30] =	vst.add.f32.msk $0xffff, v0  }
0x10a: {  	s21 =	sadd.s32 $0x1, s21  }
0x10b: {  	p0 =	sne.s32 s21, $0x20  }
.Ltmp4:
0x10c: {  	s10 =	sadd.s32 s25, s18;
	(pc) =	sbr.rel @p0 .LBB2_2-.Ltmp4, $4  }
0x10d: {  	s10 =	sshll.u32 s10, $0x4  }
0x10e: {  	s10 =	sand.u32 $0x1FFFFF80, s10  }
0x10f: {  	s10 =	sadd.s32 s7, s10  }
0x110: {  	[hbm4b:s10+s3] =	stream.linear.scatter [tilespmem:s6], [sflag:$0xC], $0x6400, $0x38;
	[tilespmem:$0x1C600] =	vst v63  }
0x111: {  	s10 =	simm.s32 $0x9  }
0x112: {  	_ =	swait.ge [sflag:s10], $0x6400  }
0x113: {  	[sflag:s10] =	ssyncset.done $0x0  }
0x114: {  	s22 =	simm.s32 $0xA;
	[sflag:s10] =	ssyncadd.s32 $0xFFFF9C00  }
0x115: {  	_ =	swait.ge [sflag:s22], $0x6400  }
0x116: {  	[sflag:s22] =	ssyncset.done $0x0  }
0x117: {  	s25 =	simm.s32 $0xB;
	[sflag:s22] =	ssyncadd.s32 $0xFFFF9C00  }
0x118: {  	_ =	swait.ge [sflag:s25], $0x6400  }
0x119: {  	[sflag:s25] =	ssyncset.done $0x0  }
0x11a: {  	s11 =	simm.s32 $0xC;
	[sflag:s25] =	ssyncadd.s32 $0xFFFF9C00  }
0x11b: {  	_ =	swait.ge [sflag:s11], $0x6400  }
0x11c: {  	s8 =	sadd.s32 $0x1, s8;
	s29 =	rddreg [dreg:$0x8]  }
0x11d: {  	p0 =	sne.s32 s8, s29  }
.Ltmp5:
0x11e: {  	_ = 	snop;
	(pc) =	sbr.rel @p0 .LBB2_1-.Ltmp5, $3  }
0x11f: {  	_ =	sdelay $0x1  }
0x120: {  	[sflag:s11] =	ssyncset.done $0x0  }
0x121: {  	[sflag:s11] =	ssyncadd.s32 $0xFFFF9C00  }
0x122: {  	_ =	sfence.sel $0x180000  }
0x123: {  	[bflag:$0x0] =	sbarrier.arrive $0xFFFF  }
0x124: {  	_ =	strace $0x90000047  }
0x125: {  	s0 =	stileid.u32;
	[bflag:$0x2] =	sbarrier.arrive $0xFFFF  }
0x126: {  	p0 =	sne.s32 s0, $0x0;
	s0 =	rddreg [dreg:$0x2]  }
0x127: {  	s0 =	sadd.s32 @!p0 $0x100000, s0  }
0x128: {  	[sflag:s0] =	ssyncadd.tile.s32 @!p0 $0x1;
	_ =	shalt  }
.Lfunc_end2:
_tile_overlayer_lowered:
.L_overlay_start_2:
0x129: {  	(tag) =	ssettag $0x2  }
0x12a: {  	s0 =	rddreg [dreg:$0x0];
	s2 =	stileid.u32  }
0x12b: {  	s1 =	rddreg [dreg:$0x1];
	p0 =	sne.s32 s2, $0x0  }
0x12c: {  	s3 =	rddreg [dreg:$0x2];
	[bflag:$0x3] =	sbarrier.arrive $0xFFFF;
	s2 =	simm.s32 @!p0 $0x1C0D  }
0x12d: {  	[timem:s3], [sflag:s2] =	dma.local @!p0 [hbm:s0], s1  }
0x12e: {  	s0 =	simm.s32 @!p0 $0xD  }
0x12f: {  	_ =	swait.ge @!p0 [sflag:s0], s1  }
0x130: {  	s1 =	ssub.s32 @!p0 $0x0, s1;
	[sflag:s0] =	ssyncset.done @!p0 $0x0  }
0x131: {  	[sflag:s0] =	ssyncadd.s32 @!p0 s1  }
0x132: {  	[bflag:$0x3] =	sbarrier.arrive $0xFFFF  }
0x133: {  	_ =	shalt  }

// kernel: sparse-core-data-format-call.cloned.1.call-start
scs
called_computation_lowered:
.L_overlay_start_0:
0x0: {  	s2 =	sld [smem:$0x3FD9]  }
0x1: {  	s3 =	sld [smem:$0x3FFE];
	_ =	sdelay $0x1  }
0x2: {  	s1 =	srdreg.scid  }
0x3: {  	s0 =	sand.u32 $0x1, s1  }
0x4: {  	s18 =	sshll.u32 s0, $0xA;
	s2 =	sadd.s32 s3, s2  }
0x5: {  	s2 =	sadd.s32 s2, s18  }
0x6: {  	[smem:$0x3FC6] =	sst s2  }
0x7: {  	_ = 	snop  }
0x8: {  	s2 =	sld [smem:$0x3FD0];
	(tm) =	ssettm $0x1  }
0x9: {  	s19 =	sld [smem:$0x3FFB];
	_ =	sdelay $0x3  }
0xa: {  	_ =	strace s19  }
0xb: {  	s3 =	sld [smem:$0x3FFC];
	_ =	sdelay $0x3  }
0xc: {  	_ =	strace s3  }
0xd: {  	s3 =	sld [smem:$0x3FFD];
	_ =	sdelay $0x3  }
0xe: {  	_ =	strace s3  }
0xf: {  	_ =	strace $0x8FFFFFFF  }
0x10: {  	s20 =	sld [smem:$0x3FDB];
	_ =	sdelay $0x1  }
0x11: {  	s4 =	simm.s32 $_scs_section_size  }
0x12: {  	s5 =	simm.s32 $_size__tile_overlayer_lowered;
	s6 =	simm.s32 $_tile_overlayer_lowered  }
0x13: {  	s23 =	simm.s32 $0x1BFF;
	s22 =	sshll.u32 s6, $0x1;
	s3 =	sadd.s32 s4, s20  }
0x14: {  	s7 =	simm.s32 $0x0;
	s21 =	sshll.u32 s5, $0x1;
	s5 =	sadd.s32 s22, s3  }
0x15: {  	[timem:s7], [sflag:s23] =	dma.local [hbm:s5], s21  }
0x16: {  	_ =	swait.ge [sflag:s23], s21  }
0x17: {  	s4 =	ssub.s32 $0x0, s21;
	[sflag:s23] =	ssyncset.done $0x0  }
0x18: {  	[sflag:s23] =	ssyncadd.s32 s4;
	_ =	sdelay $0x1  }
0x19: {  	s24 =	simm.s32 $0x1B8B  }
0x1a: {  	_ =	swait.ge [sflag:s24], $0x1  }
0x1b: {  	[sflag:s24] =	ssyncset.done $0x0  }
0x1c: {  	s26 =	simm.s32 $0x1B8E;
	s25 =	sld [smem:$0x3FFE];
	[sflag:s24] =	ssyncadd.s32 $0xFFFFFFFF  }
0x1d: {  	s27 =	simm.s32 $execute0_lowered;
	[smem:$0x3FD2] =	sst s26  }
0x1e: {  	s5 =	sshll.u32 s27, $0x1;
	_ =	strace $0x80000049;
	[dreg:$0x1] =	wrdreg $0xFFFFFFFF  }
0x1f: {  	s28 =	simm.s32 $_size_execute0_lowered;
	s3 =	sadd.s32 s3, s5;
	[dreg:$0x0] =	wrdreg $0x0  }
0x20: {  	s5 =	sshll.u32 s28, $0x1;
	[dreg:$0x2] =	wrdreg s3  }
0x21: {  	[dreg:$0x3] =	wrdreg s5  }
0x22: {  	[dreg:$0x4] =	wrdreg $0xC0  }
0x23: {  	_ =	task [dreg:s7], $0x5FFFF  }
0x24: {  	[dreg:$0x1] =	wrdreg $0xFFFFFFFF  }
0x25: {  	[dreg:$0x0] =	wrdreg $0x60  }
0x26: {  	[dreg:$0x2] =	wrdreg s25  }
0x27: {  	[dreg:$0x3] =	wrdreg s2  }
0x28: {  	[dreg:$0x4] =	wrdreg $0x9  }
0x29: {  	_ =	task.clear_ibuf [dreg:s7], $0x5FFFF;
	_ =	strace $0x90000049  }
0x2a: {  	s29 =	simm.s32 $0x9;
	_ =	strace $0x8000004B  }
0x2b: {  	_ =	swait.ge [sflag:s29], $0x1  }
0x2c: {  	[sflag:s29] =	ssyncadd.s32 $0xFFFFFFFF  }
0x2d: {  	_ =	strace $0x9000004B  }
0x2e: {  	_ =	sfence  }
0x2f: {  	s30 =	sld [smem:$0x0];
	_ =	sdelay $0x2  }
0x30: {  	s31 =	sshll.u32 s1, $0xD;
	s1 =	sshrl.u32 s1, $0x2  }
0x31: {  	s3 =	sand.u32 $0x4000, s31;
	s1 =	sadd.s32 s1, s30  }
0x32: {  	s0 =	sor.u32 s3, s0;
	s1 =	sshll.u32 s1, $0x11  }
0x33: {  	s0 =	sor.u32 s1, s0  }
0x34: {  	s0 =	sadd.s32 $0x8F2B, s0  }
0x35: {  	[sflag:s0] =	ssyncadd.remote.s32 $0x1  }
0x36: {  	_ =	sfence.sel $0xFFFF  }
0x37: {  	[dreg:$0x0] =	wrdreg $0xFFFFFFFF;
	(pc) =	sbr.abs _section_cstart, $3  }
0x38: {  	[dreg:$0x1] =	wrdreg $0xFFFFFFFF  }
0x39: {  	_ =	task.clear_ibuf [dreg:s7], $0x2FFFF;
	_ =	strace $0x9FFFFFFF  }
0x3a: {  	(tm) =	ssettm $0x7FFFFFFF  }
0x3b: {  	_ =	shalt  }
tec
execute0_lowered:
.L_overlay_start_1:
0x0: {  	(tag) =	ssettag $0x1  }
0x1: {  	s0 =	srdreg.scid  }
0x2: {  	s1 =	sshll.u32 s0, $0x4  }
0x3: {  	s0 =	stileid.u32;
	s1 =	sand.u32 $0x10, s1  }
0x4: {  	s1 =	sor.u32 s0, s1  }
0x5: {  	s6 =	rddreg [dreg:$0x0];
	s4 =	simm.s32 $0x1;
	s2 =	sshll.u32 s1, $0x7  }
0x6: {  	s7 =	simm.s32 $0x2;
	s12 =	simm.s32 $0x0;
	s1 =	ssub.s32 $0x1000, s2  }
0x7: {  	s8 =	simm.s32 $0x8000;
	s13 =	simm.s32 $0x0;
	s3 =	sand.u32 $0xF80, s1  }
0x8: {  	s9 =	simm.s32 $0x0;
	s5 =	sshrl.u32 s1, $0xC;
	p0 =	sne.s32 s3, $0x0  }
.Ltmp0:
0x9: {  	s1 =	rddreg [dreg:$0x2];
	s4 =	simm.s32 @!p0 $0x0;
	(pc) =	sbr.rel .LBB1_1-.Ltmp0, $4  }
0xa: {  	s11 =	simm.s32 $0x0;
	s3 =	rddreg [dreg:$0x1];
	s5 =	sadd.s32 s4, s5  }
0xb: {  	_ =	strace $0x8000004A;
	s4 =	simm.s32 $0x1;
	s5 =	smul.u32 $0xC8, s5  }
0xc: {  	s6 =	sadd.s32 $0xF43600, s6;
	s10 =	smov.u32 s2;
	[sflag:s4] =	ssyncpa.u1 $0x0  }
0xd: {  	p0 =	por $0x0, $0x0;
	[sflag:s7] =	ssyncpa.u1 $0x0;
	s7 =	sor.u32 $0x1, s5  }
.LBB1_4:
0xe: {  	s16 =	sshll.u32 s13, $0x3;
	s17 =	sand.u32 $0x78, s13  }
0xf: {  	s30 =	sand.u32 $0x7E00, s13;
	s12 =	sshll.u32 s12, $0xF;
	s16 =	sand.u32 $0xC00, s16  }
0x10: {  	[tilespmem:s15+$0x810 ss:$0x81] =	vst.msk $0xffff, v2;
	s31 =	sand.u32 $0x7, s13;
	s16 =	sor.u32 s17, s16;
	s17 =	sadd.s32 s3, s30  }
0x11: {  	[tilespmem:s15+$0x1020 ss:$0x81] =	vst.msk $0xffff, v0;
	s13 =	sshll.u32 s31, $0x12;
	s12 =	sadd.s32 s12, s17;
	s16 =	sshrl.u32 s16, $0x3  }
0x12: {  	[tilespmem:s15+$0x0 ss:$0x81] =	vst.msk $0xffff, v1;
	s13 =	sor.u32 $0x400, s13;
	s12 =	sadd.s32 s16, s12  }
0x13: {  	[hbm4b:s12+s13] =	stream.strided.scatter [tilespmem:s14], [sflag:$0x2], $0x2000, s8, s13, $0x20;
	[tilespmem:$0x8080] =	vst v63  }
.LBB1_5:
0x14: {  	s14 =	sadd.s32 $0x1, s9  }
0x15: {  	s12 =	sadd.s32 $0x1000, s10;
	s16 =	smov.u32 s10;
	p2 =	sgt.s32 s14, $0xC7  }
0x16: {  	s16 =	smov.u32 @p2 s12  }
0x17: {  	s14 =	simm.s32 @p2 $0x0;
	p2 =	sgt.s32 s16, $0xFFF  }
0x18: {  	s16 =	smov.u32 @p2 s2;
	p2 =	sne.s32 s11, s7  }
.Ltmp1:
0x19: {  	p1 =	slt.u32 s11, $0x2;
	(pc) =	sbr.rel @!p2 .LBB1_6-.Ltmp1, $4  }
0x1a: {  	s15 =	simm.s32 @!p1 $0x2  }
0x1b: {  	s13 =	smov.u32 s10;
	p0 =	por !p0, !p0;
	_ =	swait.ge @!p1 [sflag:s15], $0x2000  }
0x1c: {  	s12 =	smov.u32 s9;
	[sflag:s15] =	ssyncset.done @!p1 $0x0;
	s9 =	smov.u32 s14  }
0x1d: {  	s11 =	sadd.s32 $0x1, s11;
	[sflag:s15] =	ssyncadd.s32 @!p1 $0xFFFFE000;
	s10 =	smov.u32 s16  }
.LBB1_1:
0x1e: {  	p1 =	sge.u32 s11, s5  }
0x1f: {  	s14 =	sand.u32 @!p1 $0x1FFFFFF, s9  }
0x20: {  	s15 =	smulhi.u32 @!p1 $0x147AE15, s14;
	_ =	sdelay $0x1  }
0x21: {  	s15 =	smul.u32 @!p1 $0xC8, s15  }
0x22: {  	s16 =	sxor.u32 @!p1 $0xFFFFFFFF, s11;
	s17 =	smul.u32 @!p1 $0xC80, s10  }
0x23: {  	s31 =	sadd.s32 $0xFFFFFFFF, s11;
	s16 =	sshll.u32 @!p1 s16, $0xD;
	s14 =	ssub.s32 @!p1 s14, s15  }
0x24: {  	s15 =	sand.u32 @!p1 $0x2000, s16;
	s16 =	sadd.s32 @!p1 s6, s17;
	s14 =	sshll.u32 @!p1 s14, $0x4  }
0x25: {  	s17 =	simm.s32 @!p1 $0x6400;
	s14 =	sadd.s32 @!p1 s14, s16;
	s16 =	simm.s32 @!p1 $0x40  }
0x26: {  	[tilespmem:s15], [sflag:$0x1] =	stream.strided.gather @!p1 [hbm4b:s14+s16], $0x2000, s17, s16, $0x38;
	[tilespmem:$0x8080] =	vst v63  }
0x27: {  	p1 =	sge.u32 s31, s5  }
.Ltmp2:
0x28: {  	_ = 	snop;
	(pc) =	sbr.rel @p1 .LBB1_5-.Ltmp2, $1  }
0x29: {  	_ =	sdelay $0x3  }
0x2a: {  	s14 =	simm.s32 $0x1  }
0x2b: {  	_ =	swait.ge [sflag:s4], $0x2000;
	s14 =	simm.s32 @!p0 $0x0  }
0x2c: {  	[sflag:s4] =	ssyncset.done $0x0;
	s15 =	sshll.u32 s14, $0xD  }
0x2d: {  	[sflag:s4] =	ssyncadd.s32 $0xFFFFE000;
	s18 =	sor.u32 $0x20, s15  }
0x2e: {  	s14 =	smul.u32 $0x8100, s14;
	v3 =	vld [tilespmem:s18+$0x10]  }
0x2f: {  	s30 =	sand.u32 $0x1, s11;
	v2 =	vld [tilespmem:s18+$0xFFFFFFF0]  }
0x30: {  	s15 =	smul.u32 $0x8100, s30;
	s14 =	sshrl.u32 s14, $0x2;
	v0 =	vld [tilespmem:s18+$0x0]  }
0x31: {  	v1 =	vld [tilespmem:s18+$0xFFFFFFE0];
	s16 =	sor.u32 $0x4000, s14  }
0x32: {  	s31 =	sshrl.u32 s15, $0x2;
	s15 =	sadd.s32 $0x0, s16  }
0x33: {  	s17 =	simm.s32 $0x4;
	s18 =	sadd.s32 $0x40, s18;
	s14 =	sor.u32 $0x4000, s31;
	[tilespmem:s15+$0x1830 ss:$0x81] =	vst.msk $0xffff, v3  }
.LBB1_3:
0x34: {  	v3 =	vld [tilespmem:s18+$0x10];
	p1 =	sne.s32 s17, $0x1FC;
	[tilespmem:s15+$0x810 ss:$0x81] =	vst.msk $0xffff, v2;
	s19 =	smov.u32 s17;
	s17 =	sadd.s32 $0x4, s17  }
.Ltmp3:
0x35: {  	v2 =	vld [tilespmem:s18+$0xFFFFFFF0];
	[tilespmem:s15+$0x1020 ss:$0x81] =	vst.msk $0xffff, v0;
	(pc) =	sbr.rel @p1 .LBB1_3-.Ltmp3, $4  }
0x36: {  	v0 =	vld [tilespmem:s18+$0x0];
	[tilespmem:s15+$0x0 ss:$0x81] =	vst.msk $0xffff, v1  }
0x37: {  	s15 =	sshra.s32 s19, $0x2;
	v1 =	vld [tilespmem:s18+$0xFFFFFFE0]  }
0x38: {  	s15 =	sadd.s32 s15, s16  }
0x39: {  	s18 =	sadd.s32 $0x40, s18;
	[tilespmem:s15+$0x1830 ss:$0x81] =	vst.msk $0xffff, v3  }
.Ltmp4:
0x3a: {  	_ = 	snop;
	(pc) =	sbr.rel .LBB1_4-.Ltmp4, $1  }
0x3b: {  	_ =	sdelay $0x3  }
.LBB1_6:
0x3c: {  	_ =	sfence.sel $0x180000  }
0x3d: {  	s2 =	simm.s32 $0x1;
	[bflag:$0x0] =	sbarrier.arrive $0xFFFF  }
0x3e: {  	s31 =	simm.s32 $0x2;
	[sflag:s2] =	ssyncpa.u1 $0x1  }
0x3f: {  	[sflag:s31] =	ssyncpa.u1 $0x1  }
0x40: {  	p0 =	sne.s32 s0, $0x0;
	_ =	strace $0x9000004A  }
0x41: {  	s0 =	sadd.s32 @!p0 $0x100000, s1;
	[bflag:$0x2] =	sbarrier.arrive $0xFFFF  }
0x42: {  	[sflag:s0] =	ssyncadd.tile.s32 @!p0 $0x1;
	_ =	shalt  }
.Lfunc_end1:
_tile_overlayer_lowered:
.L_overlay_start_2:
0x43: {  	(tag) =	ssettag $0x2  }
0x44: {  	s0 =	rddreg [dreg:$0x0];
	s2 =	stileid.u32  }
0x45: {  	s1 =	rddreg [dreg:$0x1];
	p0 =	sne.s32 s2, $0x0  }
0x46: {  	s3 =	rddreg [dreg:$0x2];
	[bflag:$0x3] =	sbarrier.arrive $0xFFFF;
	s2 =	simm.s32 @!p0 $0x1C01  }
0x47: {  	[timem:s3], [sflag:s2] =	dma.local @!p0 [hbm:s0], s1  }
0x48: {  	s0 =	simm.s32 @!p0 $0x1  }
0x49: {  	_ =	swait.ge @!p0 [sflag:s0], s1  }
0x4a: {  	s1 =	ssub.s32 @!p0 $0x0, s1;
	[sflag:s0] =	ssyncset.done @!p0 $0x0  }
0x4b: {  	[sflag:s0] =	ssyncadd.s32 @!p0 s1  }
0x4c: {  	[bflag:$0x3] =	sbarrier.arrive $0xFFFF  }
0x4d: {  	_ =	shalt  }

</sc_bundles>
